<compile_context>
chip_gen: v7x
topology: tpu7x:2x2x1
jax: 0.10.2.dev20260603
libtpu: 0.0.44.dev20260713+nightly
codegen_flags: <defaults>
</compile_context>

<pallas_src>
import functools

import jax
import jax.numpy as jnp
from jax import lax
from jax.experimental import pallas as pl
from jax.experimental.pallas import tpu as pltpu
from jax.experimental.pallas import tpu_sc as plsc

N = 819200
B = 16384
DIM = 3
PAD = 4
NC = 2
NS = 16
NW = NC * NS
C = N // NW
K = 6400
GROUPS = K // 16
BAGS_W = B // NW
NCH = C // K
WSZ = 16384

_mesh = plsc.VectorSubcoreMesh(core_axis_name="c", subcore_axis_name="s")


@functools.partial(
    pl.kernel,
    mesh=_mesh,
    out_type=[
        jax.ShapeDtypeStruct((N * PAD,), jnp.float32),
        jax.ShapeDtypeStruct((B * PAD,), jnp.float32),
    ],
    scratch_types=[
        pltpu.VMEM((32,), jnp.float32),
        pltpu.VMEM((40,), jnp.float32),
        pltpu.VMEM((K,), jnp.int32),
        pltpu.VMEM((K,), jnp.int32),
        pltpu.VMEM((K * PAD,), jnp.float32),
        pltpu.VMEM((K * PAD,), jnp.float32),
        pltpu.VMEM((BAGS_W + 16,), jnp.int32),
        pltpu.VMEM((WSZ,), jnp.int32),
        pltpu.VMEM((BAGS_W * PAD,), jnp.float32),
        pltpu.SemaphoreType.DMA,
        pltpu.SemaphoreType.DMA,
        pltpu.SemaphoreType.DMA,
        pltpu.SemaphoreType.DMA,
    ],
    compiler_params=pltpu.CompilerParams(needs_layout_passes=False),
)
def _sc_kernel(data_hbm, offs_hbm, w1_hbm, w2_hbm, x_hbm, x2_hbm,
               w1_v, w2_v, idx0_v, idx1_v, xout0_v, xout1_v, offs_v, win_v,
               bag_v, isem0, isem1, osem0, osem1):
    wid = lax.axis_index("s") * NC + lax.axis_index("c")
    iota = lax.iota(jnp.int32, 16)

    pltpu.sync_copy(w1_hbm, w1_v)
    pltpu.sync_copy(w2_hbm, w2_v)

    base_elem = wid * C
    idx_b = (idx0_v, idx1_v)
    xout_b = (xout0_v, xout1_v)
    isems = (isem0, isem1)
    osems = (osem0, osem1)

    def in_start(ci):
        cstart = pl.multiple_of(base_elem + ci * K, 128)
        return pltpu.async_copy(data_hbm.at[pl.ds(cstart, K)],
                                idx_b[ci % 2], isems[ci % 2])

    in_h = [None] * NCH
    out_h = [None] * NCH
    in_h[0] = in_start(0)
    for ci in range(NCH):
        cur = ci % 2
        if ci + 1 < NCH:
            in_h[ci + 1] = in_start(ci + 1)
        in_h[ci].wait()
        if ci >= 2:
            out_h[ci - 2].wait()
        ix = idx_b[cur]
        xo = xout_b[cur]

        @plsc.parallel_loop(0, GROUPS, unroll=4)
        def grp(g):
            d = ix[pl.ds(g * 16, 16)]
            d3 = d * 3
            gbase = (g // 8) * (PAD * 128) + (g % 8) * 16
            for comp in range(DIM):
                xo[pl.ds(gbase + comp * 128, 16)] = plsc.load_gather(
                    w1_v, [d3 + comp])

        cstart = pl.multiple_of(base_elem + ci * K, 128)
        out_h[ci] = pltpu.async_copy(
            xo, x_hbm.at[pl.ds(cstart * PAD, K * PAD)], osems[cur])
    out_h[NCH - 2].wait()
    out_h[NCH - 1].wait()

    b0 = pl.multiple_of(wid * BAGS_W, 128)
    pltpu.sync_copy(offs_hbm.at[pl.ds(b0, BAGS_W)], offs_v.at[pl.ds(0, BAGS_W)])
    probe = pl.multiple_of(jnp.minimum(b0 + BAGS_W, B - 8), 8)
    pltpu.sync_copy(offs_hbm.at[pl.ds(probe, 8)], offs_v.at[pl.ds(BAGS_W, 8)])
    zero16 = jnp.zeros((16,), jnp.float32)
    last_worker = wid == NW - 1

    def bag_body(b, wbase):
        se = plsc.load_gather(offs_v, [b + iota])
        s = se[0]
        e = jnp.where(last_worker & (b == BAGS_W - 1), N, se[1])

        def cond(carry):
            k, _, _, _, _ = carry
            return k < e

        def body(carry):
            k, wb, a0, a1, a2 = carry
            need = (k + 16) > (wb + WSZ)
            wb2 = jnp.where(need, jnp.minimum((k // 8) * 8, N - WSZ), wb)

            @pl.when(need)
            def _():
                pltpu.sync_copy(
                    data_hbm.at[pl.ds(pl.multiple_of(wb2, 8), WSZ)], win_v)

            li = jnp.minimum(k + iota, e - 1) - wb2
            d = plsc.load_gather(win_v, [li])
            d3 = jnp.where((k + iota) < e, d * 3, 30)
            a0 = a0 + plsc.load_gather(w2_v, [d3])
            a1 = a1 + plsc.load_gather(w2_v, [d3 + 1])
            a2 = a2 + plsc.load_gather(w2_v, [d3 + 2])
            return (k + 16, wb2, a0, a1, a2)

        _, wb_fin, a0, a1, a2 = lax.while_loop(
            cond, body, (s, wbase, zero16, zero16, zero16))
        cnt_v = jnp.broadcast_to(e - s, (16,)).astype(jnp.float32)
        inv_v = 1.0 / jnp.maximum(cnt_v, 1.0)
        sums = jnp.where(iota == 0, jnp.sum(a0),
                         jnp.where(iota == 1, jnp.sum(a1), jnp.sum(a2)))
        bbase = (b // 128) * (PAD * 128) + (b % 128)
        plsc.store_scatter(bag_v, [bbase + 128 * iota], sums * inv_v,
                           mask=iota < DIM)
        return wb_fin

    lax.fori_loop(0, BAGS_W, bag_body, jnp.int32(-2 ** 30), unroll=2)
    pltpu.sync_copy(bag_v, x2_hbm.at[pl.ds(b0 * PAD, BAGS_W * PAD)])


def _untile(flat4, n):
    return (flat4.reshape(n // 128, PAD, 128)[:, :DIM, :]
            .transpose(0, 2, 1).reshape(n, DIM))


def kernel(data, offsets, W1, W2):
    w1f = jnp.concatenate([W1.reshape(-1), jnp.zeros((2,), jnp.float32)])
    w2f = jnp.concatenate([W2.reshape(-1), jnp.zeros((10,), jnp.float32)])
    xf4, x2f4 = _sc_kernel(data, offsets, w1f, w2f)
    return _untile(xf4, N), _untile(x2f4, B)

# --- scband reference (transcript-rebuilt; emitter-appended) ---
"""Pipeline reference for scband-test-77120432767573 (READ-ONLY COPY).

The authoritative reference and input builder live on the scoring server;
editing this copy changes nothing except your own understanding.
"""

import jax, jax.numpy as jnp
import numpy as np

N_IDX = 819200
N_BAGS = 16384
VOCAB = 10
DIM = 3

def setup_inputs(seed: int = 0):
    key = jax.random.key(seed)
    k1, k2, k3, k4 = jax.random.split(key, 4)
    data = jax.random.randint(k1, (N_IDX,), 0, VOCAB, dtype=jnp.int32)
    offsets = jnp.sort(jax.random.randint(k2, (N_BAGS,), 0, N_IDX, dtype=jnp.int32))
    offsets = offsets.at[0].set(0)  # torch EmbeddingBag requires offsets[0] == 0
    W1 = jax.random.normal(k3, (VOCAB, DIM), dtype=jnp.float32)
    W2 = jax.random.normal(k4, (VOCAB, DIM), dtype=jnp.float32)
    return {"data": data, "offsets": offsets, "W1": W1, "W2": W2}

def reference(data, offsets, W1, W2):
    # x = self.embedding1(data)
    x = jnp.take(W1, data, axis=0)
    # x2 = self.embedding2(data, offsets)  -> EmbeddingBag, default mode='mean'
    n = data.shape[0]
    b = offsets.shape[0]
    # segment id for each flat index position: bag i covers [offsets[i], offsets[i+1])
    seg = jnp.searchsorted(offsets, jnp.arange(n, dtype=offsets.dtype), side='right') - 1
    seg = jnp.clip(seg, 0, b - 1)
    emb = jnp.take(W2, data, axis=0)
    sums = jax.ops.segment_sum(emb, seg, num_segments=b)
    counts = jax.ops.segment_sum(jnp.ones((n,), dtype=jnp.float32), seg, num_segments=b)
    # torch returns zeros for empty bags in mean mode
    x2 = sums / jnp.maximum(counts, 1.0)[:, None]
    return (x, x2)

if __name__ == "__main__":
    import jax
    _d = setup_inputs()
    print(jax.jit(kernel)(*tuple(_d.values())))

</pallas_src>

<mosaic_0001>
#map = affine_map<(d0, d1) -> (0)>
module attributes {stable_mosaic.version = 14 : i64} {
  func.func @_sc_kernel(%arg0: i32, %arg1: i32, %arg2: memref<819200xi32, #tpu.memory_space<hbm>>, %arg3: memref<16384xi32, #tpu.memory_space<hbm>>, %arg4: memref<32xf32, #tpu.memory_space<hbm>>, %arg5: memref<40xf32, #tpu.memory_space<hbm>>, %arg6: memref<3276800xf32, #tpu.memory_space<hbm>>, %arg7: memref<65536xf32, #tpu.memory_space<hbm>>, %arg8: memref<32xf32, #tpu.memory_space<vmem>>, %arg9: memref<40xf32, #tpu.memory_space<vmem>>, %arg10: memref<6400xi32, #tpu.memory_space<vmem>>, %arg11: memref<6400xi32, #tpu.memory_space<vmem>>, %arg12: memref<25600xf32, #tpu.memory_space<vmem>>, %arg13: memref<25600xf32, #tpu.memory_space<vmem>>, %arg14: memref<528xi32, #tpu.memory_space<vmem>>, %arg15: memref<16384xi32, #tpu.memory_space<vmem>>, %arg16: memref<2048xf32, #tpu.memory_space<vmem>>, %arg17: memref<!tpu.dma_semaphore, #tpu.memory_space<semaphore_mem>>, %arg18: memref<!tpu.dma_semaphore, #tpu.memory_space<semaphore_mem>>, %arg19: memref<!tpu.dma_semaphore, #tpu.memory_space<semaphore_mem>>, %arg20: memref<!tpu.dma_semaphore, #tpu.memory_space<semaphore_mem>>) attributes {dimension_semantics = [#tpu.dimension_semantics<core_parallel>, #tpu.dimension_semantics<subcore_parallel>], iteration_bounds = array<i64: 2, 16>, scalar_prefetch = 0 : i64, scratch_operands = 13 : i64, tpu.core_type = #tpu.core_type<sc_vector_subcore>, window_params = [{transform_indices = #map}, {transform_indices = #map}, {transform_indices = #map}, {transform_indices = #map}, {transform_indices = #map}, {transform_indices = #map}]} {
    %mul3A = arith.constant 2 : i32
    %mul3A_0 = arith.muli %arg1, %mul3A : i32
    %add3A = arith.addi %mul3A_0, %arg0 : i32
    %iota3A = tpu.iota {dimensions = array<i32: 0>} : vector<16xi32>
    "tpu.region"() ({
      %run_scoped3A = tpu.sem_alloc : memref<!tpu.dma_semaphore, #tpu.memory_space<semaphore_mem>>
      tpu.enqueue_dma source(%arg4 : memref<32xf32, #tpu.memory_space<hbm>>) target(%arg8 : memref<32xf32, #tpu.memory_space<vmem>>) target_semaphore(%run_scoped3A : memref<!tpu.dma_semaphore, #tpu.memory_space<semaphore_mem>>)
      tpu.wait_dma2 semaphore(%run_scoped3A : memref<!tpu.dma_semaphore, #tpu.memory_space<semaphore_mem>>) src(%arg4 : memref<32xf32, #tpu.memory_space<hbm>>) dst(%arg8 : memref<32xf32, #tpu.memory_space<vmem>>)
      tpu.yield
    }) : () -> ()
    "tpu.region"() ({
      %run_scoped3A = tpu.sem_alloc : memref<!tpu.dma_semaphore, #tpu.memory_space<semaphore_mem>>
      tpu.enqueue_dma source(%arg5 : memref<40xf32, #tpu.memory_space<hbm>>) target(%arg9 : memref<40xf32, #tpu.memory_space<vmem>>) target_semaphore(%run_scoped3A : memref<!tpu.dma_semaphore, #tpu.memory_space<semaphore_mem>>)
      tpu.wait_dma2 semaphore(%run_scoped3A : memref<!tpu.dma_semaphore, #tpu.memory_space<semaphore_mem>>) src(%arg5 : memref<40xf32, #tpu.memory_space<hbm>>) dst(%arg9 : memref<40xf32, #tpu.memory_space<vmem>>)
      tpu.yield
    }) : () -> ()
    %mul3A_1 = arith.constant 25600 : i32
    %mul3A_2 = arith.muli %add3A, %mul3A_1 : i32
    %add3A_3 = arith.constant 0 : i32
    %add3A_4 = arith.addi %mul3A_2, %add3A_3 : i32
    %multiple_of3A = tpu.assume_multiple %add3A_4, 128 : i32
    %dma_start3A = tpu.memref_slice %arg2[%multiple_of3A] : memref<819200xi32, #tpu.memory_space<hbm>> -> memref<6400xi32, #tpu.memory_space<hbm>>
    %dma_start3A_5 = tpu.memref_slice %arg2[%multiple_of3A] : memref<819200xi32, #tpu.memory_space<hbm>> -> memref<6400xi32, #tpu.memory_space<hbm>>
    tpu.enqueue_dma source(%dma_start3A_5 : memref<6400xi32, #tpu.memory_space<hbm>>) target(%arg10 : memref<6400xi32, #tpu.memory_space<vmem>>) target_semaphore(%arg17 : memref<!tpu.dma_semaphore, #tpu.memory_space<semaphore_mem>>)
    %add3A_6 = arith.constant 6400 : i32
    %add3A_7 = arith.addi %mul3A_2, %add3A_6 : i32
    %multiple_of3A_8 = tpu.assume_multiple %add3A_7, 128 : i32
    %dma_start3A_9 = tpu.memref_slice %arg2[%multiple_of3A_8] : memref<819200xi32, #tpu.memory_space<hbm>> -> memref<6400xi32, #tpu.memory_space<hbm>>
    %dma_start3A_10 = tpu.memref_slice %arg2[%multiple_of3A_8] : memref<819200xi32, #tpu.memory_space<hbm>> -> memref<6400xi32, #tpu.memory_space<hbm>>
    tpu.enqueue_dma source(%dma_start3A_10 : memref<6400xi32, #tpu.memory_space<hbm>>) target(%arg11 : memref<6400xi32, #tpu.memory_space<vmem>>) target_semaphore(%arg18 : memref<!tpu.dma_semaphore, #tpu.memory_space<semaphore_mem>>)
    %dma_wait3A = tpu.memref_slice %arg2[%multiple_of3A] : memref<819200xi32, #tpu.memory_space<hbm>> -> memref<6400xi32, #tpu.memory_space<hbm>>
    %dma_wait3A_11 = tpu.memref_slice %arg2[%multiple_of3A] : memref<819200xi32, #tpu.memory_space<hbm>> -> memref<6400xi32, #tpu.memory_space<hbm>>
    tpu.wait_dma2 semaphore(%arg17 : memref<!tpu.dma_semaphore, #tpu.memory_space<semaphore_mem>>) src(%dma_wait3A_11 : memref<6400xi32, #tpu.memory_space<hbm>>) dst(%arg10 : memref<6400xi32, #tpu.memory_space<vmem>>)
    %parallel_loop3A = arith.constant 0 : i32
    %parallel_loop3A_12 = arith.constant 400 : i32
    %parallel_loop3A_13 = arith.constant 1 : i32
    scf.for %parallel_loop3A_92 = %parallel_loop3A to %parallel_loop3A_12 step %parallel_loop3A_13  : i32 {
      %parallel_loop3A_93 = arith.constant 16 : i32
      %parallel_loop3A_94 = arith.muli %parallel_loop3A_92, %parallel_loop3A_93 : i32
      %parallel_loop3A_95 = arith.index_cast %parallel_loop3A_94 : i32 to index
      %parallel_loop3A_96 = tpu.vector_load %arg10[%parallel_loop3A_95] {strides = array<i32>} : memref<6400xi32, #tpu.memory_space<vmem>>, vector<16xi32>,
      %parallel_loop3A_97 = arith.constant 3 : i32
      %parallel_loop3A_98 = vector.broadcast %parallel_loop3A_97 : i32 to vector<16xi32>
      %parallel_loop3A_99 = arith.muli %parallel_loop3A_96, %parallel_loop3A_98 : vector<16xi32>
      %parallel_loop3A_100 = arith.constant 8 : i32
      %parallel_loop3A_101 = arith.divsi %parallel_loop3A_92, %parallel_loop3A_100 : i32
      %parallel_loop3A_102 = arith.constant 0 : i32
      %parallel_loop3A_103 = arith.cmpi sgt, %parallel_loop3A_92, %parallel_loop3A_102 : i32
      %parallel_loop3A_104 = arith.extui %parallel_loop3A_103 : i1 to i32
      %parallel_loop3A_105 = arith.constant 0 : i32
      %parallel_loop3A_106 = arith.cmpi slt, %parallel_loop3A_92, %parallel_loop3A_105 : i32
      %parallel_loop3A_107 = arith.extui %parallel_loop3A_106 : i1 to i32
      %parallel_loop3A_108 = arith.subi %parallel_loop3A_104, %parallel_loop3A_107 : i32
      %parallel_loop3A_109 = arith.constant 0 : i32
      %parallel_loop3A_110 = arith.cmpi sgt, %parallel_loop3A_100, %parallel_loop3A_109 : i32
      %parallel_loop3A_111 = arith.extui %parallel_loop3A_110 : i1 to i32
      %parallel_loop3A_112 = arith.constant 0 : i32
      %parallel_loop3A_113 = arith.cmpi slt, %parallel_loop3A_100, %parallel_loop3A_112 : i32
      %parallel_loop3A_114 = arith.extui %parallel_loop3A_113 : i1 to i32
      %parallel_loop3A_115 = arith.subi %parallel_loop3A_111, %parallel_loop3A_114 : i32
      %parallel_loop3A_116 = arith.cmpi ne, %parallel_loop3A_108, %parallel_loop3A_115 : i32
      %parallel_loop3A_117 = arith.remsi %parallel_loop3A_92, %parallel_loop3A_100 : i32
      %parallel_loop3A_118 = arith.constant 0 : i32
      %parallel_loop3A_119 = arith.cmpi ne, %parallel_loop3A_117, %parallel_loop3A_118 : i32
      %parallel_loop3A_120 = arith.andi %parallel_loop3A_116, %parallel_loop3A_119 : i1
      %parallel_loop3A_121 = arith.constant 1 : i32
      %parallel_loop3A_122 = arith.subi %parallel_loop3A_101, %parallel_loop3A_121 : i32
      %parallel_loop3A_123 = arith.select %parallel_loop3A_120, %parallel_loop3A_122, %parallel_loop3A_101 : i32
      %parallel_loop3A_124 = arith.constant 512 : i32
      %parallel_loop3A_125 = arith.muli %parallel_loop3A_123, %parallel_loop3A_124 : i32
      %parallel_loop3A_126 = arith.constant 8 : i32
      %parallel_loop3A_127 = arith.constant 0 : i32
      %parallel_loop3A_128 = arith.cmpi eq, %parallel_loop3A_126, %parallel_loop3A_127 : i32
      %parallel_loop3A_129 = arith.constant 1 : i32
      %parallel_loop3A_130 = arith.select %parallel_loop3A_128, %parallel_loop3A_129, %parallel_loop3A_126 : i32
      %parallel_loop3A_131 = arith.remsi %parallel_loop3A_92, %parallel_loop3A_130 : i32
      %parallel_loop3A_132 = arith.constant 0 : i32
      %parallel_loop3A_133 = arith.cmpi ne, %parallel_loop3A_131, %parallel_loop3A_132 : i32
      %parallel_loop3A_134 = arith.constant 0 : i32
      %parallel_loop3A_135 = arith.cmpi slt, %parallel_loop3A_131, %parallel_loop3A_134 : i32
      %parallel_loop3A_136 = arith.constant 0 : i32
      %parallel_loop3A_137 = arith.cmpi slt, %parallel_loop3A_130, %parallel_loop3A_136 : i32
      %parallel_loop3A_138 = arith.xori %parallel_loop3A_135, %parallel_loop3A_137 : i1
      %parallel_loop3A_139 = arith.andi %parallel_loop3A_138, %parallel_loop3A_133 : i1
      %parallel_loop3A_140 = arith.addi %parallel_loop3A_131, %parallel_loop3A_130 : i32
      %parallel_loop3A_141 = arith.select %parallel_loop3A_139, %parallel_loop3A_140, %parallel_loop3A_131 : i32
      %parallel_loop3A_142 = arith.constant 16 : i32
      %parallel_loop3A_143 = arith.muli %parallel_loop3A_141, %parallel_loop3A_142 : i32
      %parallel_loop3A_144 = arith.addi %parallel_loop3A_125, %parallel_loop3A_143 : i32
      %parallel_loop3A_145 = arith.constant 0 : i32
      %parallel_loop3A_146 = vector.broadcast %parallel_loop3A_145 : i32 to vector<16xi32>
      %parallel_loop3A_147 = arith.addi %parallel_loop3A_99, %parallel_loop3A_146 : vector<16xi32>
      %parallel_loop3A_148 = tpu.vector_load_idx %arg8[%parallel_loop3A_147] : memref<32xf32, #tpu.memory_space<vmem>>[vector<16xi32>], vector<16xf32>,
      %parallel_loop3A_149 = arith.constant 0 : i32
      %parallel_loop3A_150 = arith.addi %parallel_loop3A_144, %parallel_loop3A_149 : i32
      %parallel_loop3A_151 = arith.index_cast %parallel_loop3A_150 : i32 to index
      %parallel_loop3A_152 = tpu.vector_load %arg12[%parallel_loop3A_151] {strides = array<i32>} : memref<25600xf32, #tpu.memory_space<vmem>>, vector<16xf32>,
      tpu.vector_store %arg12[%parallel_loop3A_151], %parallel_loop3A_148 {strides = array<i32>} : memref<25600xf32, #tpu.memory_space<vmem>>, vector<16xf32>,
      %parallel_loop3A_153 = arith.constant 1 : i32
      %parallel_loop3A_154 = vector.broadcast %parallel_loop3A_153 : i32 to vector<16xi32>
      %parallel_loop3A_155 = arith.addi %parallel_loop3A_99, %parallel_loop3A_154 : vector<16xi32>
      %parallel_loop3A_156 = tpu.vector_load_idx %arg8[%parallel_loop3A_155] : memref<32xf32, #tpu.memory_space<vmem>>[vector<16xi32>], vector<16xf32>,
      %parallel_loop3A_157 = arith.constant 128 : i32
      %parallel_loop3A_158 = arith.addi %parallel_loop3A_144, %parallel_loop3A_157 : i32
      %parallel_loop3A_159 = arith.index_cast %parallel_loop3A_158 : i32 to index
      %parallel_loop3A_160 = tpu.vector_load %arg12[%parallel_loop3A_159] {strides = array<i32>} : memref<25600xf32, #tpu.memory_space<vmem>>, vector<16xf32>,
      tpu.vector_store %arg12[%parallel_loop3A_159], %parallel_loop3A_156 {strides = array<i32>} : memref<25600xf32, #tpu.memory_space<vmem>>, vector<16xf32>,
      %parallel_loop3A_161 = arith.constant 2 : i32
      %parallel_loop3A_162 = vector.broadcast %parallel_loop3A_161 : i32 to vector<16xi32>
      %parallel_loop3A_163 = arith.addi %parallel_loop3A_99, %parallel_loop3A_162 : vector<16xi32>
      %parallel_loop3A_164 = tpu.vector_load_idx %arg8[%parallel_loop3A_163] : memref<32xf32, #tpu.memory_space<vmem>>[vector<16xi32>], vector<16xf32>,
      %parallel_loop3A_165 = arith.constant 256 : i32
      %parallel_loop3A_166 = arith.addi %parallel_loop3A_144, %parallel_loop3A_165 : i32
      %parallel_loop3A_167 = arith.index_cast %parallel_loop3A_166 : i32 to index
      %parallel_loop3A_168 = tpu.vector_load %arg12[%parallel_loop3A_167] {strides = array<i32>} : memref<25600xf32, #tpu.memory_space<vmem>>, vector<16xf32>,
      tpu.vector_store %arg12[%parallel_loop3A_167], %parallel_loop3A_164 {strides = array<i32>} : memref<25600xf32, #tpu.memory_space<vmem>>, vector<16xf32>,
    } {sc.loop_unroll_factor = 4 : i64, sc.parallel_access}
    %add3A_14 = arith.constant 0 : i32
    %add3A_15 = arith.addi %mul3A_2, %add3A_14 : i32
    %multiple_of3A_16 = tpu.assume_multiple %add3A_15, 128 : i32
    %mul3A_17 = arith.constant 4 : i32
    %mul3A_18 = arith.muli %multiple_of3A_16, %mul3A_17 : i32
    %dma_start3A_19 = tpu.memref_slice %arg6[%mul3A_18] : memref<3276800xf32, #tpu.memory_space<hbm>> -> memref<25600xf32, #tpu.memory_space<hbm>>
    %dma_start3A_20 = tpu.memref_slice %arg6[%mul3A_18] : memref<3276800xf32, #tpu.memory_space<hbm>> -> memref<25600xf32, #tpu.memory_space<hbm>>
    tpu.enqueue_dma source(%arg12 : memref<25600xf32, #tpu.memory_space<vmem>>) target(%dma_start3A_20 : memref<25600xf32, #tpu.memory_space<hbm>>) target_semaphore(%arg19 : memref<!tpu.dma_semaphore, #tpu.memory_space<semaphore_mem>>)
    %add3A_21 = arith.constant 12800 : i32
    %add3A_22 = arith.addi %mul3A_2, %add3A_21 : i32
    %multiple_of3A_23 = tpu.assume_multiple %add3A_22, 128 : i32
    %dma_start3A_24 = tpu.memref_slice %arg2[%multiple_of3A_23] : memref<819200xi32, #tpu.memory_space<hbm>> -> memref<6400xi32, #tpu.memory_space<hbm>>
    %dma_start3A_25 = tpu.memref_slice %arg2[%multiple_of3A_23] : memref<819200xi32, #tpu.memory_space<hbm>> -> memref<6400xi32, #tpu.memory_space<hbm>>
    tpu.enqueue_dma source(%dma_start3A_25 : memref<6400xi32, #tpu.memory_space<hbm>>) target(%arg10 : memref<6400xi32, #tpu.memory_space<vmem>>) target_semaphore(%arg17 : memref<!tpu.dma_semaphore, #tpu.memory_space<semaphore_mem>>)
    %dma_wait3A_26 = tpu.memref_slice %arg2[%multiple_of3A_8] : memref<819200xi32, #tpu.memory_space<hbm>> -> memref<6400xi32, #tpu.memory_space<hbm>>
    %dma_wait3A_27 = tpu.memref_slice %arg2[%multiple_of3A_8] : memref<819200xi32, #tpu.memory_space<hbm>> -> memref<6400xi32, #tpu.memory_space<hbm>>
    tpu.wait_dma2 semaphore(%arg18 : memref<!tpu.dma_semaphore, #tpu.memory_space<semaphore_mem>>) src(%dma_wait3A_27 : memref<6400xi32, #tpu.memory_space<hbm>>) dst(%arg11 : memref<6400xi32, #tpu.memory_space<vmem>>)
    %parallel_loop3A_28 = arith.constant 0 : i32
    %parallel_loop3A_29 = arith.constant 400 : i32
    %parallel_loop3A_30 = arith.constant 1 : i32
    scf.for %parallel_loop3A_92 = %parallel_loop3A_28 to %parallel_loop3A_29 step %parallel_loop3A_30  : i32 {
      %parallel_loop3A_93 = arith.constant 16 : i32
      %parallel_loop3A_94 = arith.muli %parallel_loop3A_92, %parallel_loop3A_93 : i32
      %parallel_loop3A_95 = arith.index_cast %parallel_loop3A_94 : i32 to index
      %parallel_loop3A_96 = tpu.vector_load %arg11[%parallel_loop3A_95] {strides = array<i32>} : memref<6400xi32, #tpu.memory_space<vmem>>, vector<16xi32>,
      %parallel_loop3A_97 = arith.constant 3 : i32
      %parallel_loop3A_98 = vector.broadcast %parallel_loop3A_97 : i32 to vector<16xi32>
      %parallel_loop3A_99 = arith.muli %parallel_loop3A_96, %parallel_loop3A_98 : vector<16xi32>
      %parallel_loop3A_100 = arith.constant 8 : i32
      %parallel_loop3A_101 = arith.divsi %parallel_loop3A_92, %parallel_loop3A_100 : i32
      %parallel_loop3A_102 = arith.constant 0 : i32
      %parallel_loop3A_103 = arith.cmpi sgt, %parallel_loop3A_92, %parallel_loop3A_102 : i32
      %parallel_loop3A_104 = arith.extui %parallel_loop3A_103 : i1 to i32
      %parallel_loop3A_105 = arith.constant 0 : i32
      %parallel_loop3A_106 = arith.cmpi slt, %parallel_loop3A_92, %parallel_loop3A_105 : i32
      %parallel_loop3A_107 = arith.extui %parallel_loop3A_106 : i1 to i32
      %parallel_loop3A_108 = arith.subi %parallel_loop3A_104, %parallel_loop3A_107 : i32
      %parallel_loop3A_109 = arith.constant 0 : i32
      %parallel_loop3A_110 = arith.cmpi sgt, %parallel_loop3A_100, %parallel_loop3A_109 : i32
      %parallel_loop3A_111 = arith.extui %parallel_loop3A_110 : i1 to i32
      %parallel_loop3A_112 = arith.constant 0 : i32
      %parallel_loop3A_113 = arith.cmpi slt, %parallel_loop3A_100, %parallel_loop3A_112 : i32
      %parallel_loop3A_114 = arith.extui %parallel_loop3A_113 : i1 to i32
      %parallel_loop3A_115 = arith.subi %parallel_loop3A_111, %parallel_loop3A_114 : i32
      %parallel_loop3A_116 = arith.cmpi ne, %parallel_loop3A_108, %parallel_loop3A_115 : i32
      %parallel_loop3A_117 = arith.remsi %parallel_loop3A_92, %parallel_loop3A_100 : i32
      %parallel_loop3A_118 = arith.constant 0 : i32
      %parallel_loop3A_119 = arith.cmpi ne, %parallel_loop3A_117, %parallel_loop3A_118 : i32
      %parallel_loop3A_120 = arith.andi %parallel_loop3A_116, %parallel_loop3A_119 : i1
      %parallel_loop3A_121 = arith.constant 1 : i32
      %parallel_loop3A_122 = arith.subi %parallel_loop3A_101, %parallel_loop3A_121 : i32
      %parallel_loop3A_123 = arith.select %parallel_loop3A_120, %parallel_loop3A_122, %parallel_loop3A_101 : i32
      %parallel_loop3A_124 = arith.constant 512 : i32
      %parallel_loop3A_125 = arith.muli %parallel_loop3A_123, %parallel_loop3A_124 : i32
      %parallel_loop3A_126 = arith.constant 8 : i32
      %parallel_loop3A_127 = arith.constant 0 : i32
      %parallel_loop3A_128 = arith.cmpi eq, %parallel_loop3A_126, %parallel_loop3A_127 : i32
      %parallel_loop3A_129 = arith.constant 1 : i32
      %parallel_loop3A_130 = arith.select %parallel_loop3A_128, %parallel_loop3A_129, %parallel_loop3A_126 : i32
      %parallel_loop3A_131 = arith.remsi %parallel_loop3A_92, %parallel_loop3A_130 : i32
      %parallel_loop3A_132 = arith.constant 0 : i32
      %parallel_loop3A_133 = arith.cmpi ne, %parallel_loop3A_131, %parallel_loop3A_132 : i32
      %parallel_loop3A_134 = arith.constant 0 : i32
      %parallel_loop3A_135 = arith.cmpi slt, %parallel_loop3A_131, %parallel_loop3A_134 : i32
      %parallel_loop3A_136 = arith.constant 0 : i32
      %parallel_loop3A_137 = arith.cmpi slt, %parallel_loop3A_130, %parallel_loop3A_136 : i32
      %parallel_loop3A_138 = arith.xori %parallel_loop3A_135, %parallel_loop3A_137 : i1
      %parallel_loop3A_139 = arith.andi %parallel_loop3A_138, %parallel_loop3A_133 : i1
      %parallel_loop3A_140 = arith.addi %parallel_loop3A_131, %parallel_loop3A_130 : i32
      %parallel_loop3A_141 = arith.select %parallel_loop3A_139, %parallel_loop3A_140, %parallel_loop3A_131 : i32
      %parallel_loop3A_142 = arith.constant 16 : i32
      %parallel_loop3A_143 = arith.muli %parallel_loop3A_141, %parallel_loop3A_142 : i32
      %parallel_loop3A_144 = arith.addi %parallel_loop3A_125, %parallel_loop3A_143 : i32
      %parallel_loop3A_145 = arith.constant 0 : i32
      %parallel_loop3A_146 = vector.broadcast %parallel_loop3A_145 : i32 to vector<16xi32>
      %parallel_loop3A_147 = arith.addi %parallel_loop3A_99, %parallel_loop3A_146 : vector<16xi32>
      %parallel_loop3A_148 = tpu.vector_load_idx %arg8[%parallel_loop3A_147] : memref<32xf32, #tpu.memory_space<vmem>>[vector<16xi32>], vector<16xf32>,
      %parallel_loop3A_149 = arith.constant 0 : i32
      %parallel_loop3A_150 = arith.addi %parallel_loop3A_144, %parallel_loop3A_149 : i32
      %parallel_loop3A_151 = arith.index_cast %parallel_loop3A_150 : i32 to index
      %parallel_loop3A_152 = tpu.vector_load %arg13[%parallel_loop3A_151] {strides = array<i32>} : memref<25600xf32, #tpu.memory_space<vmem>>, vector<16xf32>,
      tpu.vector_store %arg13[%parallel_loop3A_151], %parallel_loop3A_148 {strides = array<i32>} : memref<25600xf32, #tpu.memory_space<vmem>>, vector<16xf32>,
      %parallel_loop3A_153 = arith.constant 1 : i32
      %parallel_loop3A_154 = vector.broadcast %parallel_loop3A_153 : i32 to vector<16xi32>
      %parallel_loop3A_155 = arith.addi %parallel_loop3A_99, %parallel_loop3A_154 : vector<16xi32>
      %parallel_loop3A_156 = tpu.vector_load_idx %arg8[%parallel_loop3A_155] : memref<32xf32, #tpu.memory_space<vmem>>[vector<16xi32>], vector<16xf32>,
      %parallel_loop3A_157 = arith.constant 128 : i32
      %parallel_loop3A_158 = arith.addi %parallel_loop3A_144, %parallel_loop3A_157 : i32
      %parallel_loop3A_159 = arith.index_cast %parallel_loop3A_158 : i32 to index
      %parallel_loop3A_160 = tpu.vector_load %arg13[%parallel_loop3A_159] {strides = array<i32>} : memref<25600xf32, #tpu.memory_space<vmem>>, vector<16xf32>,
      tpu.vector_store %arg13[%parallel_loop3A_159], %parallel_loop3A_156 {strides = array<i32>} : memref<25600xf32, #tpu.memory_space<vmem>>, vector<16xf32>,
      %parallel_loop3A_161 = arith.constant 2 : i32
      %parallel_loop3A_162 = vector.broadcast %parallel_loop3A_161 : i32 to vector<16xi32>
      %parallel_loop3A_163 = arith.addi %parallel_loop3A_99, %parallel_loop3A_162 : vector<16xi32>
      %parallel_loop3A_164 = tpu.vector_load_idx %arg8[%parallel_loop3A_163] : memref<32xf32, #tpu.memory_space<vmem>>[vector<16xi32>], vector<16xf32>,
      %parallel_loop3A_165 = arith.constant 256 : i32
      %parallel_loop3A_166 = arith.addi %parallel_loop3A_144, %parallel_loop3A_165 : i32
      %parallel_loop3A_167 = arith.index_cast %parallel_loop3A_166 : i32 to index
      %parallel_loop3A_168 = tpu.vector_load %arg13[%parallel_loop3A_167] {strides = array<i32>} : memref<25600xf32, #tpu.memory_space<vmem>>, vector<16xf32>,
      tpu.vector_store %arg13[%parallel_loop3A_167], %parallel_loop3A_164 {strides = array<i32>} : memref<25600xf32, #tpu.memory_space<vmem>>, vector<16xf32>,
    } {sc.loop_unroll_factor = 4 : i64, sc.parallel_access}
    %add3A_31 = arith.constant 6400 : i32
    %add3A_32 = arith.addi %mul3A_2, %add3A_31 : i32
    %multiple_of3A_33 = tpu.assume_multiple %add3A_32, 128 : i32
    %mul3A_34 = arith.constant 4 : i32
    %mul3A_35 = arith.muli %multiple_of3A_33, %mul3A_34 : i32
    %dma_start3A_36 = tpu.memref_slice %arg6[%mul3A_35] : memref<3276800xf32, #tpu.memory_space<hbm>> -> memref<25600xf32, #tpu.memory_space<hbm>>
    %dma_start3A_37 = tpu.memref_slice %arg6[%mul3A_35] : memref<3276800xf32, #tpu.memory_space<hbm>> -> memref<25600xf32, #tpu.memory_space<hbm>>
    tpu.enqueue_dma source(%arg13 : memref<25600xf32, #tpu.memory_space<vmem>>) target(%dma_start3A_37 : memref<25600xf32, #tpu.memory_space<hbm>>) target_semaphore(%arg20 : memref<!tpu.dma_semaphore, #tpu.memory_space<semaphore_mem>>)
    %add3A_38 = arith.constant 19200 : i32
    %add3A_39 = arith.addi %mul3A_2, %add3A_38 : i32
    %multiple_of3A_40 = tpu.assume_multiple %add3A_39, 128 : i32
    %dma_start3A_41 = tpu.memref_slice %arg2[%multiple_of3A_40] : memref<819200xi32, #tpu.memory_space<hbm>> -> memref<6400xi32, #tpu.memory_space<hbm>>
    %dma_start3A_42 = tpu.memref_slice %arg2[%multiple_of3A_40] : memref<819200xi32, #tpu.memory_space<hbm>> -> memref<6400xi32, #tpu.memory_space<hbm>>
    tpu.enqueue_dma source(%dma_start3A_42 : memref<6400xi32, #tpu.memory_space<hbm>>) target(%arg11 : memref<6400xi32, #tpu.memory_space<vmem>>) target_semaphore(%arg18 : memref<!tpu.dma_semaphore, #tpu.memory_space<semaphore_mem>>)
    %dma_wait3A_43 = tpu.memref_slice %arg2[%multiple_of3A_23] : memref<819200xi32, #tpu.memory_space<hbm>> -> memref<6400xi32, #tpu.memory_space<hbm>>
    %dma_wait3A_44 = tpu.memref_slice %arg2[%multiple_of3A_23] : memref<819200xi32, #tpu.memory_space<hbm>> -> memref<6400xi32, #tpu.memory_space<hbm>>
    tpu.wait_dma2 semaphore(%arg17 : memref<!tpu.dma_semaphore, #tpu.memory_space<semaphore_mem>>) src(%dma_wait3A_44 : memref<6400xi32, #tpu.memory_space<hbm>>) dst(%arg10 : memref<6400xi32, #tpu.memory_space<vmem>>)
    %dma_wait3A_45 = tpu.memref_slice %arg6[%mul3A_18] : memref<3276800xf32, #tpu.memory_space<hbm>> -> memref<25600xf32, #tpu.memory_space<hbm>>
    %dma_wait3A_46 = tpu.memref_slice %arg6[%mul3A_18] : memref<3276800xf32, #tpu.memory_space<hbm>> -> memref<25600xf32, #tpu.memory_space<hbm>>
    tpu.wait_dma2 semaphore(%arg19 : memref<!tpu.dma_semaphore, #tpu.memory_space<semaphore_mem>>) src(%arg12 : memref<25600xf32, #tpu.memory_space<vmem>>) dst(%dma_wait3A_46 : memref<25600xf32, #tpu.memory_space<hbm>>)
    %parallel_loop3A_47 = arith.constant 0 : i32
    %parallel_loop3A_48 = arith.constant 400 : i32
    %parallel_loop3A_49 = arith.constant 1 : i32
    scf.for %parallel_loop3A_92 = %parallel_loop3A_47 to %parallel_loop3A_48 step %parallel_loop3A_49  : i32 {
      %parallel_loop3A_93 = arith.constant 16 : i32
      %parallel_loop3A_94 = arith.muli %parallel_loop3A_92, %parallel_loop3A_93 : i32
      %parallel_loop3A_95 = arith.index_cast %parallel_loop3A_94 : i32 to index
      %parallel_loop3A_96 = tpu.vector_load %arg10[%parallel_loop3A_95] {strides = array<i32>} : memref<6400xi32, #tpu.memory_space<vmem>>, vector<16xi32>,
      %parallel_loop3A_97 = arith.constant 3 : i32
      %parallel_loop3A_98 = vector.broadcast %parallel_loop3A_97 : i32 to vector<16xi32>
      %parallel_loop3A_99 = arith.muli %parallel_loop3A_96, %parallel_loop3A_98 : vector<16xi32>
      %parallel_loop3A_100 = arith.constant 8 : i32
      %parallel_loop3A_101 = arith.divsi %parallel_loop3A_92, %parallel_loop3A_100 : i32
      %parallel_loop3A_102 = arith.constant 0 : i32
      %parallel_loop3A_103 = arith.cmpi sgt, %parallel_loop3A_92, %parallel_loop3A_102 : i32
      %parallel_loop3A_104 = arith.extui %parallel_loop3A_103 : i1 to i32
      %parallel_loop3A_105 = arith.constant 0 : i32
      %parallel_loop3A_106 = arith.cmpi slt, %parallel_loop3A_92, %parallel_loop3A_105 : i32
      %parallel_loop3A_107 = arith.extui %parallel_loop3A_106 : i1 to i32
      %parallel_loop3A_108 = arith.subi %parallel_loop3A_104, %parallel_loop3A_107 : i32
      %parallel_loop3A_109 = arith.constant 0 : i32
      %parallel_loop3A_110 = arith.cmpi sgt, %parallel_loop3A_100, %parallel_loop3A_109 : i32
      %parallel_loop3A_111 = arith.extui %parallel_loop3A_110 : i1 to i32
      %parallel_loop3A_112 = arith.constant 0 : i32
      %parallel_loop3A_113 = arith.cmpi slt, %parallel_loop3A_100, %parallel_loop3A_112 : i32
      %parallel_loop3A_114 = arith.extui %parallel_loop3A_113 : i1 to i32
      %parallel_loop3A_115 = arith.subi %parallel_loop3A_111, %parallel_loop3A_114 : i32
      %parallel_loop3A_116 = arith.cmpi ne, %parallel_loop3A_108, %parallel_loop3A_115 : i32
      %parallel_loop3A_117 = arith.remsi %parallel_loop3A_92, %parallel_loop3A_100 : i32
      %parallel_loop3A_118 = arith.constant 0 : i32
      %parallel_loop3A_119 = arith.cmpi ne, %parallel_loop3A_117, %parallel_loop3A_118 : i32
      %parallel_loop3A_120 = arith.andi %parallel_loop3A_116, %parallel_loop3A_119 : i1
      %parallel_loop3A_121 = arith.constant 1 : i32
      %parallel_loop3A_122 = arith.subi %parallel_loop3A_101, %parallel_loop3A_121 : i32
      %parallel_loop3A_123 = arith.select %parallel_loop3A_120, %parallel_loop3A_122, %parallel_loop3A_101 : i32
      %parallel_loop3A_124 = arith.constant 512 : i32
      %parallel_loop3A_125 = arith.muli %parallel_loop3A_123, %parallel_loop3A_124 : i32
      %parallel_loop3A_126 = arith.constant 8 : i32
      %parallel_loop3A_127 = arith.constant 0 : i32
      %parallel_loop3A_128 = arith.cmpi eq, %parallel_loop3A_126, %parallel_loop3A_127 : i32
      %parallel_loop3A_129 = arith.constant 1 : i32
      %parallel_loop3A_130 = arith.select %parallel_loop3A_128, %parallel_loop3A_129, %parallel_loop3A_126 : i32
      %parallel_loop3A_131 = arith.remsi %parallel_loop3A_92, %parallel_loop3A_130 : i32
      %parallel_loop3A_132 = arith.constant 0 : i32
      %parallel_loop3A_133 = arith.cmpi ne, %parallel_loop3A_131, %parallel_loop3A_132 : i32
      %parallel_loop3A_134 = arith.constant 0 : i32
      %parallel_loop3A_135 = arith.cmpi slt, %parallel_loop3A_131, %parallel_loop3A_134 : i32
      %parallel_loop3A_136 = arith.constant 0 : i32
      %parallel_loop3A_137 = arith.cmpi slt, %parallel_loop3A_130, %parallel_loop3A_136 : i32
      %parallel_loop3A_138 = arith.xori %parallel_loop3A_135, %parallel_loop3A_137 : i1
      %parallel_loop3A_139 = arith.andi %parallel_loop3A_138, %parallel_loop3A_133 : i1
      %parallel_loop3A_140 = arith.addi %parallel_loop3A_131, %parallel_loop3A_130 : i32
      %parallel_loop3A_141 = arith.select %parallel_loop3A_139, %parallel_loop3A_140, %parallel_loop3A_131 : i32
      %parallel_loop3A_142 = arith.constant 16 : i32
      %parallel_loop3A_143 = arith.muli %parallel_loop3A_141, %parallel_loop3A_142 : i32
      %parallel_loop3A_144 = arith.addi %parallel_loop3A_125, %parallel_loop3A_143 : i32
      %parallel_loop3A_145 = arith.constant 0 : i32
      %parallel_loop3A_146 = vector.broadcast %parallel_loop3A_145 : i32 to vector<16xi32>
      %parallel_loop3A_147 = arith.addi %parallel_loop3A_99, %parallel_loop3A_146 : vector<16xi32>
      %parallel_loop3A_148 = tpu.vector_load_idx %arg8[%parallel_loop3A_147] : memref<32xf32, #tpu.memory_space<vmem>>[vector<16xi32>], vector<16xf32>,
      %parallel_loop3A_149 = arith.constant 0 : i32
      %parallel_loop3A_150 = arith.addi %parallel_loop3A_144, %parallel_loop3A_149 : i32
      %parallel_loop3A_151 = arith.index_cast %parallel_loop3A_150 : i32 to index
      %parallel_loop3A_152 = tpu.vector_load %arg12[%parallel_loop3A_151] {strides = array<i32>} : memref<25600xf32, #tpu.memory_space<vmem>>, vector<16xf32>,
      tpu.vector_store %arg12[%parallel_loop3A_151], %parallel_loop3A_148 {strides = array<i32>} : memref<25600xf32, #tpu.memory_space<vmem>>, vector<16xf32>,
      %parallel_loop3A_153 = arith.constant 1 : i32
      %parallel_loop3A_154 = vector.broadcast %parallel_loop3A_153 : i32 to vector<16xi32>
      %parallel_loop3A_155 = arith.addi %parallel_loop3A_99, %parallel_loop3A_154 : vector<16xi32>
      %parallel_loop3A_156 = tpu.vector_load_idx %arg8[%parallel_loop3A_155] : memref<32xf32, #tpu.memory_space<vmem>>[vector<16xi32>], vector<16xf32>,
      %parallel_loop3A_157 = arith.constant 128 : i32
      %parallel_loop3A_158 = arith.addi %parallel_loop3A_144, %parallel_loop3A_157 : i32
      %parallel_loop3A_159 = arith.index_cast %parallel_loop3A_158 : i32 to index
      %parallel_loop3A_160 = tpu.vector_load %arg12[%parallel_loop3A_159] {strides = array<i32>} : memref<25600xf32, #tpu.memory_space<vmem>>, vector<16xf32>,
      tpu.vector_store %arg12[%parallel_loop3A_159], %parallel_loop3A_156 {strides = array<i32>} : memref<25600xf32, #tpu.memory_space<vmem>>, vector<16xf32>,
      %parallel_loop3A_161 = arith.constant 2 : i32
      %parallel_loop3A_162 = vector.broadcast %parallel_loop3A_161 : i32 to vector<16xi32>
      %parallel_loop3A_163 = arith.addi %parallel_loop3A_99, %parallel_loop3A_162 : vector<16xi32>
      %parallel_loop3A_164 = tpu.vector_load_idx %arg8[%parallel_loop3A_163] : memref<32xf32, #tpu.memory_space<vmem>>[vector<16xi32>], vector<16xf32>,
      %parallel_loop3A_165 = arith.constant 256 : i32
      %parallel_loop3A_166 = arith.addi %parallel_loop3A_144, %parallel_loop3A_165 : i32
      %parallel_loop3A_167 = arith.index_cast %parallel_loop3A_166 : i32 to index
      %parallel_loop3A_168 = tpu.vector_load %arg12[%parallel_loop3A_167] {strides = array<i32>} : memref<25600xf32, #tpu.memory_space<vmem>>, vector<16xf32>,
      tpu.vector_store %arg12[%parallel_loop3A_167], %parallel_loop3A_164 {strides = array<i32>} : memref<25600xf32, #tpu.memory_space<vmem>>, vector<16xf32>,
    } {sc.loop_unroll_factor = 4 : i64, sc.parallel_access}
    %add3A_50 = arith.constant 12800 : i32
    %add3A_51 = arith.addi %mul3A_2, %add3A_50 : i32
    %multiple_of3A_52 = tpu.assume_multiple %add3A_51, 128 : i32
    %mul3A_53 = arith.constant 4 : i32
    %mul3A_54 = arith.muli %multiple_of3A_52, %mul3A_53 : i32
    %dma_start3A_55 = tpu.memref_slice %arg6[%mul3A_54] : memref<3276800xf32, #tpu.memory_space<hbm>> -> memref<25600xf32, #tpu.memory_space<hbm>>
    %dma_start3A_56 = tpu.memref_slice %arg6[%mul3A_54] : memref<3276800xf32, #tpu.memory_space<hbm>> -> memref<25600xf32, #tpu.memory_space<hbm>>
    tpu.enqueue_dma source(%arg12 : memref<25600xf32, #tpu.memory_space<vmem>>) target(%dma_start3A_56 : memref<25600xf32, #tpu.memory_space<hbm>>) target_semaphore(%arg19 : memref<!tpu.dma_semaphore, #tpu.memory_space<semaphore_mem>>)
    %dma_wait3A_57 = tpu.memref_slice %arg2[%multiple_of3A_40] : memref<819200xi32, #tpu.memory_space<hbm>> -> memref<6400xi32, #tpu.memory_space<hbm>>
    %dma_wait3A_58 = tpu.memref_slice %arg2[%multiple_of3A_40] : memref<819200xi32, #tpu.memory_space<hbm>> -> memref<6400xi32, #tpu.memory_space<hbm>>
    tpu.wait_dma2 semaphore(%arg18 : memref<!tpu.dma_semaphore, #tpu.memory_space<semaphore_mem>>) src(%dma_wait3A_58 : memref<6400xi32, #tpu.memory_space<hbm>>) dst(%arg11 : memref<6400xi32, #tpu.memory_space<vmem>>)
    %dma_wait3A_59 = tpu.memref_slice %arg6[%mul3A_35] : memref<3276800xf32, #tpu.memory_space<hbm>> -> memref<25600xf32, #tpu.memory_space<hbm>>
    %dma_wait3A_60 = tpu.memref_slice %arg6[%mul3A_35] : memref<3276800xf32, #tpu.memory_space<hbm>> -> memref<25600xf32, #tpu.memory_space<hbm>>
    tpu.wait_dma2 semaphore(%arg20 : memref<!tpu.dma_semaphore, #tpu.memory_space<semaphore_mem>>) src(%arg13 : memref<25600xf32, #tpu.memory_space<vmem>>) dst(%dma_wait3A_60 : memref<25600xf32, #tpu.memory_space<hbm>>)
    %parallel_loop3A_61 = arith.constant 0 : i32
    %parallel_loop3A_62 = arith.constant 400 : i32
    %parallel_loop3A_63 = arith.constant 1 : i32
    scf.for %parallel_loop3A_92 = %parallel_loop3A_61 to %parallel_loop3A_62 step %parallel_loop3A_63  : i32 {
      %parallel_loop3A_93 = arith.constant 16 : i32
      %parallel_loop3A_94 = arith.muli %parallel_loop3A_92, %parallel_loop3A_93 : i32
      %parallel_loop3A_95 = arith.index_cast %parallel_loop3A_94 : i32 to index
      %parallel_loop3A_96 = tpu.vector_load %arg11[%parallel_loop3A_95] {strides = array<i32>} : memref<6400xi32, #tpu.memory_space<vmem>>, vector<16xi32>,
      %parallel_loop3A_97 = arith.constant 3 : i32
      %parallel_loop3A_98 = vector.broadcast %parallel_loop3A_97 : i32 to vector<16xi32>
      %parallel_loop3A_99 = arith.muli %parallel_loop3A_96, %parallel_loop3A_98 : vector<16xi32>
      %parallel_loop3A_100 = arith.constant 8 : i32
      %parallel_loop3A_101 = arith.divsi %parallel_loop3A_92, %parallel_loop3A_100 : i32
      %parallel_loop3A_102 = arith.constant 0 : i32
      %parallel_loop3A_103 = arith.cmpi sgt, %parallel_loop3A_92, %parallel_loop3A_102 : i32
      %parallel_loop3A_104 = arith.extui %parallel_loop3A_103 : i1 to i32
      %parallel_loop3A_105 = arith.constant 0 : i32
      %parallel_loop3A_106 = arith.cmpi slt, %parallel_loop3A_92, %parallel_loop3A_105 : i32
      %parallel_loop3A_107 = arith.extui %parallel_loop3A_106 : i1 to i32
      %parallel_loop3A_108 = arith.subi %parallel_loop3A_104, %parallel_loop3A_107 : i32
      %parallel_loop3A_109 = arith.constant 0 : i32
      %parallel_loop3A_110 = arith.cmpi sgt, %parallel_loop3A_100, %parallel_loop3A_109 : i32
      %parallel_loop3A_111 = arith.extui %parallel_loop3A_110 : i1 to i32
      %parallel_loop3A_112 = arith.constant 0 : i32
      %parallel_loop3A_113 = arith.cmpi slt, %parallel_loop3A_100, %parallel_loop3A_112 : i32
      %parallel_loop3A_114 = arith.extui %parallel_loop3A_113 : i1 to i32
      %parallel_loop3A_115 = arith.subi %parallel_loop3A_111, %parallel_loop3A_114 : i32
      %parallel_loop3A_116 = arith.cmpi ne, %parallel_loop3A_108, %parallel_loop3A_115 : i32
      %parallel_loop3A_117 = arith.remsi %parallel_loop3A_92, %parallel_loop3A_100 : i32
      %parallel_loop3A_118 = arith.constant 0 : i32
      %parallel_loop3A_119 = arith.cmpi ne, %parallel_loop3A_117, %parallel_loop3A_118 : i32
      %parallel_loop3A_120 = arith.andi %parallel_loop3A_116, %parallel_loop3A_119 : i1
      %parallel_loop3A_121 = arith.constant 1 : i32
      %parallel_loop3A_122 = arith.subi %parallel_loop3A_101, %parallel_loop3A_121 : i32
      %parallel_loop3A_123 = arith.select %parallel_loop3A_120, %parallel_loop3A_122, %parallel_loop3A_101 : i32
      %parallel_loop3A_124 = arith.constant 512 : i32
      %parallel_loop3A_125 = arith.muli %parallel_loop3A_123, %parallel_loop3A_124 : i32
      %parallel_loop3A_126 = arith.constant 8 : i32
      %parallel_loop3A_127 = arith.constant 0 : i32
      %parallel_loop3A_128 = arith.cmpi eq, %parallel_loop3A_126, %parallel_loop3A_127 : i32
      %parallel_loop3A_129 = arith.constant 1 : i32
      %parallel_loop3A_130 = arith.select %parallel_loop3A_128, %parallel_loop3A_129, %parallel_loop3A_126 : i32
      %parallel_loop3A_131 = arith.remsi %parallel_loop3A_92, %parallel_loop3A_130 : i32
      %parallel_loop3A_132 = arith.constant 0 : i32
      %parallel_loop3A_133 = arith.cmpi ne, %parallel_loop3A_131, %parallel_loop3A_132 : i32
      %parallel_loop3A_134 = arith.constant 0 : i32
      %parallel_loop3A_135 = arith.cmpi slt, %parallel_loop3A_131, %parallel_loop3A_134 : i32
      %parallel_loop3A_136 = arith.constant 0 : i32
      %parallel_loop3A_137 = arith.cmpi slt, %parallel_loop3A_130, %parallel_loop3A_136 : i32
      %parallel_loop3A_138 = arith.xori %parallel_loop3A_135, %parallel_loop3A_137 : i1
      %parallel_loop3A_139 = arith.andi %parallel_loop3A_138, %parallel_loop3A_133 : i1
      %parallel_loop3A_140 = arith.addi %parallel_loop3A_131, %parallel_loop3A_130 : i32
      %parallel_loop3A_141 = arith.select %parallel_loop3A_139, %parallel_loop3A_140, %parallel_loop3A_131 : i32
      %parallel_loop3A_142 = arith.constant 16 : i32
      %parallel_loop3A_143 = arith.muli %parallel_loop3A_141, %parallel_loop3A_142 : i32
      %parallel_loop3A_144 = arith.addi %parallel_loop3A_125, %parallel_loop3A_143 : i32
      %parallel_loop3A_145 = arith.constant 0 : i32
      %parallel_loop3A_146 = vector.broadcast %parallel_loop3A_145 : i32 to vector<16xi32>
      %parallel_loop3A_147 = arith.addi %parallel_loop3A_99, %parallel_loop3A_146 : vector<16xi32>
      %parallel_loop3A_148 = tpu.vector_load_idx %arg8[%parallel_loop3A_147] : memref<32xf32, #tpu.memory_space<vmem>>[vector<16xi32>], vector<16xf32>,
      %parallel_loop3A_149 = arith.constant 0 : i32
      %parallel_loop3A_150 = arith.addi %parallel_loop3A_144, %parallel_loop3A_149 : i32
      %parallel_loop3A_151 = arith.index_cast %parallel_loop3A_150 : i32 to index
      %parallel_loop3A_152 = tpu.vector_load %arg13[%parallel_loop3A_151] {strides = array<i32>} : memref<25600xf32, #tpu.memory_space<vmem>>, vector<16xf32>,
      tpu.vector_store %arg13[%parallel_loop3A_151], %parallel_loop3A_148 {strides = array<i32>} : memref<25600xf32, #tpu.memory_space<vmem>>, vector<16xf32>,
      %parallel_loop3A_153 = arith.constant 1 : i32
      %parallel_loop3A_154 = vector.broadcast %parallel_loop3A_153 : i32 to vector<16xi32>
      %parallel_loop3A_155 = arith.addi %parallel_loop3A_99, %parallel_loop3A_154 : vector<16xi32>
      %parallel_loop3A_156 = tpu.vector_load_idx %arg8[%parallel_loop3A_155] : memref<32xf32, #tpu.memory_space<vmem>>[vector<16xi32>], vector<16xf32>,
      %parallel_loop3A_157 = arith.constant 128 : i32
      %parallel_loop3A_158 = arith.addi %parallel_loop3A_144, %parallel_loop3A_157 : i32
      %parallel_loop3A_159 = arith.index_cast %parallel_loop3A_158 : i32 to index
      %parallel_loop3A_160 = tpu.vector_load %arg13[%parallel_loop3A_159] {strides = array<i32>} : memref<25600xf32, #tpu.memory_space<vmem>>, vector<16xf32>,
      tpu.vector_store %arg13[%parallel_loop3A_159], %parallel_loop3A_156 {strides = array<i32>} : memref<25600xf32, #tpu.memory_space<vmem>>, vector<16xf32>,
      %parallel_loop3A_161 = arith.constant 2 : i32
      %parallel_loop3A_162 = vector.broadcast %parallel_loop3A_161 : i32 to vector<16xi32>
      %parallel_loop3A_163 = arith.addi %parallel_loop3A_99, %parallel_loop3A_162 : vector<16xi32>
      %parallel_loop3A_164 = tpu.vector_load_idx %arg8[%parallel_loop3A_163] : memref<32xf32, #tpu.memory_space<vmem>>[vector<16xi32>], vector<16xf32>,
      %parallel_loop3A_165 = arith.constant 256 : i32
      %parallel_loop3A_166 = arith.addi %parallel_loop3A_144, %parallel_loop3A_165 : i32
      %parallel_loop3A_167 = arith.index_cast %parallel_loop3A_166 : i32 to index
      %parallel_loop3A_168 = tpu.vector_load %arg13[%parallel_loop3A_167] {strides = array<i32>} : memref<25600xf32, #tpu.memory_space<vmem>>, vector<16xf32>,
      tpu.vector_store %arg13[%parallel_loop3A_167], %parallel_loop3A_164 {strides = array<i32>} : memref<25600xf32, #tpu.memory_space<vmem>>, vector<16xf32>,
    } {sc.loop_unroll_factor = 4 : i64, sc.parallel_access}
    %add3A_64 = arith.constant 19200 : i32
    %add3A_65 = arith.addi %mul3A_2, %add3A_64 : i32
    %multiple_of3A_66 = tpu.assume_multiple %add3A_65, 128 : i32
    %mul3A_67 = arith.constant 4 : i32
    %mul3A_68 = arith.muli %multiple_of3A_66, %mul3A_67 : i32
    %dma_start3A_69 = tpu.memref_slice %arg6[%mul3A_68] : memref<3276800xf32, #tpu.memory_space<hbm>> -> memref<25600xf32, #tpu.memory_space<hbm>>
    %dma_start3A_70 = tpu.memref_slice %arg6[%mul3A_68] : memref<3276800xf32, #tpu.memory_space<hbm>> -> memref<25600xf32, #tpu.memory_space<hbm>>
    tpu.enqueue_dma source(%arg13 : memref<25600xf32, #tpu.memory_space<vmem>>) target(%dma_start3A_70 : memref<25600xf32, #tpu.memory_space<hbm>>) target_semaphore(%arg20 : memref<!tpu.dma_semaphore, #tpu.memory_space<semaphore_mem>>)
    %dma_wait3A_71 = tpu.memref_slice %arg6[%mul3A_54] : memref<3276800xf32, #tpu.memory_space<hbm>> -> memref<25600xf32, #tpu.memory_space<hbm>>
    %dma_wait3A_72 = tpu.memref_slice %arg6[%mul3A_54] : memref<3276800xf32, #tpu.memory_space<hbm>> -> memref<25600xf32, #tpu.memory_space<hbm>>
    tpu.wait_dma2 semaphore(%arg19 : memref<!tpu.dma_semaphore, #tpu.memory_space<semaphore_mem>>) src(%arg12 : memref<25600xf32, #tpu.memory_space<vmem>>) dst(%dma_wait3A_72 : memref<25600xf32, #tpu.memory_space<hbm>>)
    %dma_wait3A_73 = tpu.memref_slice %arg6[%mul3A_68] : memref<3276800xf32, #tpu.memory_space<hbm>> -> memref<25600xf32, #tpu.memory_space<hbm>>
    %dma_wait3A_74 = tpu.memref_slice %arg6[%mul3A_68] : memref<3276800xf32, #tpu.memory_space<hbm>> -> memref<25600xf32, #tpu.memory_space<hbm>>
    tpu.wait_dma2 semaphore(%arg20 : memref<!tpu.dma_semaphore, #tpu.memory_space<semaphore_mem>>) src(%arg13 : memref<25600xf32, #tpu.memory_space<vmem>>) dst(%dma_wait3A_74 : memref<25600xf32, #tpu.memory_space<hbm>>)
    %mul3A_75 = arith.constant 512 : i32
    %mul3A_76 = arith.muli %add3A, %mul3A_75 : i32
    %multiple_of3A_77 = tpu.assume_multiple %mul3A_76, 128 : i32
    "tpu.region"() ({
      %run_scoped3A = tpu.sem_alloc : memref<!tpu.dma_semaphore, #tpu.memory_space<semaphore_mem>>
      %dma_start3A_92 = arith.constant 0 : i32
      %dma_start3A_93 = tpu.memref_slice %arg14[%dma_start3A_92] : memref<528xi32, #tpu.memory_space<vmem>> -> memref<512xi32, #tpu.memory_space<vmem>>
      %dma_start3A_94 = tpu.memref_slice %arg3[%multiple_of3A_77] : memref<16384xi32, #tpu.memory_space<hbm>> -> memref<512xi32, #tpu.memory_space<hbm>>
      %dma_start3A_95 = arith.constant 0 : i32
      %dma_start3A_96 = tpu.memref_slice %arg14[%dma_start3A_95] : memref<528xi32, #tpu.memory_space<vmem>> -> memref<512xi32, #tpu.memory_space<vmem>>
      %dma_start3A_97 = tpu.memref_slice %arg3[%multiple_of3A_77] : memref<16384xi32, #tpu.memory_space<hbm>> -> memref<512xi32, #tpu.memory_space<hbm>>
      tpu.enqueue_dma source(%dma_start3A_97 : memref<512xi32, #tpu.memory_space<hbm>>) target(%dma_start3A_96 : memref<512xi32, #tpu.memory_space<vmem>>) target_semaphore(%run_scoped3A : memref<!tpu.dma_semaphore, #tpu.memory_space<semaphore_mem>>)
      %dma_wait3A_98 = arith.constant 0 : i32
      %dma_wait3A_99 = tpu.memref_slice %arg14[%dma_wait3A_98] : memref<528xi32, #tpu.memory_space<vmem>> -> memref<512xi32, #tpu.memory_space<vmem>>
      %dma_wait3A_100 = tpu.memref_slice %arg3[%multiple_of3A_77] : memref<16384xi32, #tpu.memory_space<hbm>> -> memref<512xi32, #tpu.memory_space<hbm>>
      %dma_wait3A_101 = arith.constant 0 : i32
      %dma_wait3A_102 = tpu.memref_slice %arg14[%dma_wait3A_101] : memref<528xi32, #tpu.memory_space<vmem>> -> memref<512xi32, #tpu.memory_space<vmem>>
      %dma_wait3A_103 = tpu.memref_slice %arg3[%multiple_of3A_77] : memref<16384xi32, #tpu.memory_space<hbm>> -> memref<512xi32, #tpu.memory_space<hbm>>
      tpu.wait_dma2 semaphore(%run_scoped3A : memref<!tpu.dma_semaphore, #tpu.memory_space<semaphore_mem>>) src(%dma_wait3A_103 : memref<512xi32, #tpu.memory_space<hbm>>) dst(%dma_wait3A_102 : memref<512xi32, #tpu.memory_space<vmem>>)
      tpu.yield
    }) : () -> ()
    %add3A_78 = arith.constant 512 : i32
    %add3A_79 = arith.addi %multiple_of3A_77, %add3A_78 : i32
    %min3A = arith.constant 16376 : i32
    %min3A_80 = arith.minsi %add3A_79, %min3A : i32
    %multiple_of3A_81 = tpu.assume_multiple %min3A_80, 8 : i32
    "tpu.region"() ({
      %run_scoped3A = tpu.sem_alloc : memref<!tpu.dma_semaphore, #tpu.memory_space<semaphore_mem>>
      %dma_start3A_92 = arith.constant 512 : i32
      %dma_start3A_93 = tpu.memref_slice %arg14[%dma_start3A_92] : memref<528xi32, #tpu.memory_space<vmem>> -> memref<8xi32, #tpu.memory_space<vmem>>
      %dma_start3A_94 = tpu.memref_slice %arg3[%multiple_of3A_81] : memref<16384xi32, #tpu.memory_space<hbm>> -> memref<8xi32, #tpu.memory_space<hbm>>
      %dma_start3A_95 = arith.constant 512 : i32
      %dma_start3A_96 = tpu.memref_slice %arg14[%dma_start3A_95] : memref<528xi32, #tpu.memory_space<vmem>> -> memref<8xi32, #tpu.memory_space<vmem>>
      %dma_start3A_97 = tpu.memref_slice %arg3[%multiple_of3A_81] : memref<16384xi32, #tpu.memory_space<hbm>> -> memref<8xi32, #tpu.memory_space<hbm>>
      tpu.enqueue_dma source(%dma_start3A_97 : memref<8xi32, #tpu.memory_space<hbm>>) target(%dma_start3A_96 : memref<8xi32, #tpu.memory_space<vmem>>) target_semaphore(%run_scoped3A : memref<!tpu.dma_semaphore, #tpu.memory_space<semaphore_mem>>)
      %dma_wait3A_98 = arith.constant 512 : i32
      %dma_wait3A_99 = tpu.memref_slice %arg14[%dma_wait3A_98] : memref<528xi32, #tpu.memory_space<vmem>> -> memref<8xi32, #tpu.memory_space<vmem>>
      %dma_wait3A_100 = tpu.memref_slice %arg3[%multiple_of3A_81] : memref<16384xi32, #tpu.memory_space<hbm>> -> memref<8xi32, #tpu.memory_space<hbm>>
      %dma_wait3A_101 = arith.constant 512 : i32
      %dma_wait3A_102 = tpu.memref_slice %arg14[%dma_wait3A_101] : memref<528xi32, #tpu.memory_space<vmem>> -> memref<8xi32, #tpu.memory_space<vmem>>
      %dma_wait3A_103 = tpu.memref_slice %arg3[%multiple_of3A_81] : memref<16384xi32, #tpu.memory_space<hbm>> -> memref<8xi32, #tpu.memory_space<hbm>>
      tpu.wait_dma2 semaphore(%run_scoped3A : memref<!tpu.dma_semaphore, #tpu.memory_space<semaphore_mem>>) src(%dma_wait3A_103 : memref<8xi32, #tpu.memory_space<hbm>>) dst(%dma_wait3A_102 : memref<8xi32, #tpu.memory_space<vmem>>)
      tpu.yield
    }) : () -> ()
    %broadcast_in_dim3A = arith.constant 0.000000e+00 : f32
    %broadcast_in_dim3A_82 = vector.broadcast %broadcast_in_dim3A : f32 to vector<16xf32>
    %eq3A = arith.constant 31 : i32
    %eq3A_83 = arith.cmpi eq, %add3A, %eq3A : i32
    %scan3A = arith.constant -1073741824 : i32
    %scan3A_84 = arith.constant 0 : i32
    %scan3A_85 = arith.constant 512 : i32
    %scan3A_86 = arith.addi %scan3A_84, %scan3A_85 : i32
    %scan3A_87 = arith.constant 2 : i32
    %scan3A_88 = scf.for %scan3A_92 = %scan3A_84 to %scan3A_86 step %scan3A_87 iter_args(%scan3A_93 = %scan3A) -> (i32)  : i32 {
      %add3A_94 = vector.broadcast %scan3A_92 : i32 to vector<16xi32>
      %add3A_95 = arith.addi %add3A_94, %iota3A : vector<16xi32>
      %gather3A = tpu.vector_load_idx %arg14[%add3A_95] : memref<528xi32, #tpu.memory_space<vmem>>[vector<16xi32>], vector<16xi32>,
      %slice3A = vector.extract_strided_slice %gather3A {offsets = [0], sizes = [1], strides = [1]} : vector<16xi32> to vector<1xi32>
      %squeeze3A = vector.extract %slice3A[0] : i32 from vector<1xi32>
      %eq3A_96 = arith.constant 511 : i32
      %eq3A_97 = arith.cmpi eq, %scan3A_92, %eq3A_96 : i32
      %and3A = arith.andi %eq3A_83, %eq3A_97 : i1
      %slice3A_98 = vector.extract_strided_slice %gather3A {offsets = [1], sizes = [1], strides = [1]} : vector<16xi32> to vector<1xi32>
      %squeeze3A_99 = vector.extract %slice3A_98[0] : i32 from vector<1xi32>
      %jit3A = arith.constant 819200 : i32
      %select_n3A = arith.select %and3A, %jit3A, %squeeze3A_99 : i32
      %while3A:5 = scf.while (%while3A_274 = %squeeze3A, %while3A_275 = %scan3A_93, %while3A_276 = %broadcast_in_dim3A_82, %while3A_277 = %broadcast_in_dim3A_82, %while3A_278 = %broadcast_in_dim3A_82) : (i32, i32, vector<16xf32>, vector<16xf32>, vector<16xf32>) -> (i32, i32, vector<16xf32>, vector<16xf32>, vector<16xf32>) {
        %lt3A_279 = arith.cmpi slt, %while3A_274, %select_n3A : i32
        scf.condition(%lt3A_279) %while3A_274, %while3A_275, %while3A_276, %while3A_277, %while3A_278 : i32, i32, vector<16xf32>, vector<16xf32>, vector<16xf32>
      } do {
      ^bb0(%while3A_274: i32, %while3A_275: i32, %while3A_276: vector<16xf32>, %while3A_277: vector<16xf32>, %while3A_278: vector<16xf32>):
        %add3A_279 = arith.constant 16 : i32
        %add3A_280 = arith.addi %while3A_274, %add3A_279 : i32
        %add3A_281 = arith.constant 16384 : i32
        %add3A_282 = arith.addi %while3A_275, %add3A_281 : i32
        %gt3A = arith.cmpi sgt, %add3A_280, %add3A_282 : i32
        %jit3A_283 = arith.constant 8 : i32
        %div3A_284 = arith.divsi %while3A_274, %jit3A_283 : i32
        %sign3A_285 = arith.constant 0 : i32
        %sign3A_286 = arith.cmpi sgt, %while3A_274, %sign3A_285 : i32
        %sign3A_287 = arith.extui %sign3A_286 : i1 to i32
        %sign3A_288 = arith.constant 0 : i32
        %sign3A_289 = arith.cmpi slt, %while3A_274, %sign3A_288 : i32
        %sign3A_290 = arith.extui %sign3A_289 : i1 to i32
        %sign3A_291 = arith.subi %sign3A_287, %sign3A_290 : i32
        %sign3A_292 = arith.constant 0 : i32
        %sign3A_293 = arith.cmpi sgt, %jit3A_283, %sign3A_292 : i32
        %sign3A_294 = arith.extui %sign3A_293 : i1 to i32
        %sign3A_295 = arith.constant 0 : i32
        %sign3A_296 = arith.cmpi slt, %jit3A_283, %sign3A_295 : i32
        %sign3A_297 = arith.extui %sign3A_296 : i1 to i32
        %sign3A_298 = arith.subi %sign3A_294, %sign3A_297 : i32
        %ne3A_299 = arith.cmpi ne, %sign3A_291, %sign3A_298 : i32
        %rem3A_300 = arith.remsi %while3A_274, %jit3A_283 : i32
        %ne3A_301 = arith.constant 0 : i32
        %ne3A_302 = arith.cmpi ne, %rem3A_300, %ne3A_301 : i32
        %and3A_303 = arith.andi %ne3A_299, %ne3A_302 : i1
        %sub3A_304 = arith.constant 1 : i32
        %sub3A_305 = arith.subi %div3A_284, %sub3A_304 : i32
        %select_n3A_306 = arith.select %and3A_303, %sub3A_305, %div3A_284 : i32
        %mul3A_307 = arith.constant 8 : i32
        %mul3A_308 = arith.muli %select_n3A_306, %mul3A_307 : i32
        %min3A_309 = arith.constant 802816 : i32
        %min3A_310 = arith.minsi %mul3A_308, %min3A_309 : i32
        %select_n3A_311 = arith.select %gt3A, %min3A_310, %while3A_275 : i32
        %convert_element_type3A_312 = arith.extui %gt3A : i1 to i32
        %cond3A = arith.constant 0 : i32
        %cond3A_313 = arith.cmpi ne, %convert_element_type3A_312, %cond3A : i32
        scf.if %cond3A_313 {
          %multiple_of3A_347 = tpu.assume_multiple %select_n3A_311, 8 : i32
          "tpu.region"() ({
            %run_scoped3A = tpu.sem_alloc : memref<!tpu.dma_semaphore, #tpu.memory_space<semaphore_mem>>
            %dma_start3A_348 = tpu.memref_slice %arg2[%multiple_of3A_347] : memref<819200xi32, #tpu.memory_space<hbm>> -> memref<16384xi32, #tpu.memory_space<hbm>>
            %dma_start3A_349 = tpu.memref_slice %arg2[%multiple_of3A_347] : memref<819200xi32, #tpu.memory_space<hbm>> -> memref<16384xi32, #tpu.memory_space<hbm>>
            tpu.enqueue_dma source(%dma_start3A_349 : memref<16384xi32, #tpu.memory_space<hbm>>) target(%arg15 : memref<16384xi32, #tpu.memory_space<vmem>>) target_semaphore(%run_scoped3A : memref<!tpu.dma_semaphore, #tpu.memory_space<semaphore_mem>>)
            %dma_wait3A_350 = tpu.memref_slice %arg2[%multiple_of3A_347] : memref<819200xi32, #tpu.memory_space<hbm>> -> memref<16384xi32, #tpu.memory_space<hbm>>
            %dma_wait3A_351 = tpu.memref_slice %arg2[%multiple_of3A_347] : memref<819200xi32, #tpu.memory_space<hbm>> -> memref<16384xi32, #tpu.memory_space<hbm>>
            tpu.wait_dma2 semaphore(%run_scoped3A : memref<!tpu.dma_semaphore, #tpu.memory_space<semaphore_mem>>) src(%dma_wait3A_351 : memref<16384xi32, #tpu.memory_space<hbm>>) dst(%arg15 : memref<16384xi32, #tpu.memory_space<vmem>>)
            tpu.yield
          }) : () -> ()
        } else {
        }
        %add3A_314 = vector.broadcast %while3A_274 : i32 to vector<16xi32>
        %add3A_315 = arith.addi %add3A_314, %iota3A : vector<16xi32>
        %sub3A_316 = arith.constant 1 : i32
        %sub3A_317 = arith.subi %select_n3A, %sub3A_316 : i32
        %min3A_318 = vector.broadcast %sub3A_317 : i32 to vector<16xi32>
        %min3A_319 = arith.minsi %add3A_315, %min3A_318 : vector<16xi32>
        %sub3A_320 = vector.broadcast %select_n3A_311 : i32 to vector<16xi32>
        %sub3A_321 = arith.subi %min3A_319, %sub3A_320 : vector<16xi32>
        %gather3A_322 = tpu.vector_load_idx %arg15[%sub3A_321] : memref<16384xi32, #tpu.memory_space<vmem>>[vector<16xi32>], vector<16xi32>,
        %add3A_323 = vector.broadcast %while3A_274 : i32 to vector<16xi32>
        %add3A_324 = arith.addi %add3A_323, %iota3A : vector<16xi32>
        %lt3A_325 = vector.broadcast %select_n3A : i32 to vector<16xi32>
        %lt3A_326 = arith.cmpi slt, %add3A_324, %lt3A_325 : vector<16xi32>
        %mul3A_327 = arith.constant 3 : i32
        %mul3A_328 = vector.broadcast %mul3A_327 : i32 to vector<16xi32>
        %mul3A_329 = arith.muli %gather3A_322, %mul3A_328 : vector<16xi32>
        %jit3A_330 = arith.constant 30 : i32
        %broadcast_in_dim3A_331 = vector.broadcast %jit3A_330 : i32 to vector<16xi32>
        %select_n3A_332 = arith.select %lt3A_326, %mul3A_329, %broadcast_in_dim3A_331 : vector<16xi1>, vector<16xi32>
        %gather3A_333 = tpu.vector_load_idx %arg9[%select_n3A_332] : memref<40xf32, #tpu.memory_space<vmem>>[vector<16xi32>], vector<16xf32>,
        %add3A_334 = arith.addf %while3A_276, %gather3A_333 : vector<16xf32>
        %add3A_335 = arith.constant 1 : i32
        %add3A_336 = vector.broadcast %add3A_335 : i32 to vector<16xi32>
        %add3A_337 = arith.addi %select_n3A_332, %add3A_336 : vector<16xi32>
        %gather3A_338 = tpu.vector_load_idx %arg9[%add3A_337] : memref<40xf32, #tpu.memory_space<vmem>>[vector<16xi32>], vector<16xf32>,
        %add3A_339 = arith.addf %while3A_277, %gather3A_338 : vector<16xf32>
        %add3A_340 = arith.constant 2 : i32
        %add3A_341 = vector.broadcast %add3A_340 : i32 to vector<16xi32>
        %add3A_342 = arith.addi %select_n3A_332, %add3A_341 : vector<16xi32>
        %gather3A_343 = tpu.vector_load_idx %arg9[%add3A_342] : memref<40xf32, #tpu.memory_space<vmem>>[vector<16xi32>], vector<16xf32>,
        %add3A_344 = arith.addf %while3A_278, %gather3A_343 : vector<16xf32>
        %add3A_345 = arith.constant 16 : i32
        %add3A_346 = arith.addi %while3A_274, %add3A_345 : i32
        scf.yield %add3A_346, %select_n3A_311, %add3A_334, %add3A_339, %add3A_344 : i32, i32, vector<16xf32>, vector<16xf32>, vector<16xf32>
      }
      %sub3A = arith.subi %select_n3A, %squeeze3A : i32
      %broadcast_in_dim3A_100 = vector.broadcast %sub3A : i32 to vector<16xi32>
      %convert_element_type3A = arith.sitofp %broadcast_in_dim3A_100 : vector<16xi32> to vector<16xf32>
      %max3A = arith.constant 1.000000e+00 : f32
      %max3A_101 = vector.broadcast %max3A : f32 to vector<16xf32>
      %max3A_102 = arith.maximumf %convert_element_type3A, %max3A_101 : vector<16xf32>
      %div3A = arith.constant 1.000000e+00 : f32
      %div3A_103 = vector.broadcast %div3A : f32 to vector<16xf32>
      %div3A_104 = arith.divf %div3A_103, %max3A_102 : vector<16xf32>
      %eq3A_105 = arith.constant 0 : i32
      %eq3A_106 = vector.broadcast %eq3A_105 : i32 to vector<16xi32>
      %eq3A_107 = arith.cmpi eq, %iota3A, %eq3A_106 : vector<16xi32>
      %reduce_sum3A = arith.constant true
      %reduce_sum3A_108 = vector.broadcast %reduce_sum3A : i1 to vector<16xi1>
      %reduce_sum3A_109 = tpu.scan <sum>, %while3A#2 masked %reduce_sum3A_108 : vector<16xf32>, vector<16xi1> -> vector<16xf32>
      %reduce_sum3A_110 = vector.extract %reduce_sum3A_109[15] : f32 from vector<16xf32>
      %eq3A_111 = arith.constant 1 : i32
      %eq3A_112 = vector.broadcast %eq3A_111 : i32 to vector<16xi32>
      %eq3A_113 = arith.cmpi eq, %iota3A, %eq3A_112 : vector<16xi32>
      %reduce_sum3A_114 = arith.constant true
      %reduce_sum3A_115 = vector.broadcast %reduce_sum3A_114 : i1 to vector<16xi1>
      %reduce_sum3A_116 = tpu.scan <sum>, %while3A#3 masked %reduce_sum3A_115 : vector<16xf32>, vector<16xi1> -> vector<16xf32>
      %reduce_sum3A_117 = vector.extract %reduce_sum3A_116[15] : f32 from vector<16xf32>
      %reduce_sum3A_118 = arith.constant true
      %reduce_sum3A_119 = vector.broadcast %reduce_sum3A_118 : i1 to vector<16xi1>
      %reduce_sum3A_120 = tpu.scan <sum>, %while3A#4 masked %reduce_sum3A_119 : vector<16xf32>, vector<16xi1> -> vector<16xf32>
      %reduce_sum3A_121 = vector.extract %reduce_sum3A_120[15] : f32 from vector<16xf32>
      %broadcast_in_dim3A_122 = vector.broadcast %reduce_sum3A_117 : f32 to vector<16xf32>
      %broadcast_in_dim3A_123 = vector.broadcast %reduce_sum3A_121 : f32 to vector<16xf32>
      %select_n3A_124 = arith.select %eq3A_113, %broadcast_in_dim3A_122, %broadcast_in_dim3A_123 : vector<16xi1>, vector<16xf32>
      %broadcast_in_dim3A_125 = vector.broadcast %reduce_sum3A_110 : f32 to vector<16xf32>
      %select_n3A_126 = arith.select %eq3A_107, %broadcast_in_dim3A_125, %select_n3A_124 : vector<16xi1>, vector<16xf32>
      %jit3A_127 = arith.constant 128 : i32
      %div3A_128 = arith.divsi %scan3A_92, %jit3A_127 : i32
      %sign3A = arith.constant 0 : i32
      %sign3A_129 = arith.cmpi sgt, %scan3A_92, %sign3A : i32
      %sign3A_130 = arith.extui %sign3A_129 : i1 to i32
      %sign3A_131 = arith.constant 0 : i32
      %sign3A_132 = arith.cmpi slt, %scan3A_92, %sign3A_131 : i32
      %sign3A_133 = arith.extui %sign3A_132 : i1 to i32
      %sign3A_134 = arith.subi %sign3A_130, %sign3A_133 : i32
      %sign3A_135 = arith.constant 0 : i32
      %sign3A_136 = arith.cmpi sgt, %jit3A_127, %sign3A_135 : i32
      %sign3A_137 = arith.extui %sign3A_136 : i1 to i32
      %sign3A_138 = arith.constant 0 : i32
      %sign3A_139 = arith.cmpi slt, %jit3A_127, %sign3A_138 : i32
      %sign3A_140 = arith.extui %sign3A_139 : i1 to i32
      %sign3A_141 = arith.subi %sign3A_137, %sign3A_140 : i32
      %ne3A = arith.cmpi ne, %sign3A_134, %sign3A_141 : i32
      %rem3A = arith.remsi %scan3A_92, %jit3A_127 : i32
      %ne3A_142 = arith.constant 0 : i32
      %ne3A_143 = arith.cmpi ne, %rem3A, %ne3A_142 : i32
      %and3A_144 = arith.andi %ne3A, %ne3A_143 : i1
      %sub3A_145 = arith.constant 1 : i32
      %sub3A_146 = arith.subi %div3A_128, %sub3A_145 : i32
      %select_n3A_147 = arith.select %and3A_144, %sub3A_146, %div3A_128 : i32
      %mul3A_148 = arith.constant 512 : i32
      %mul3A_149 = arith.muli %select_n3A_147, %mul3A_148 : i32
      %jit3A_150 = arith.constant 128 : i32
      %eq3A_151 = arith.constant 0 : i32
      %eq3A_152 = arith.cmpi eq, %jit3A_150, %eq3A_151 : i32
      %jit3A_153 = arith.constant 1 : i32
      %select_n3A_154 = arith.select %eq3A_152, %jit3A_153, %jit3A_150 : i32
      %rem3A_155 = arith.remsi %scan3A_92, %select_n3A_154 : i32
      %ne3A_156 = arith.constant 0 : i32
      %ne3A_157 = arith.cmpi ne, %rem3A_155, %ne3A_156 : i32
      %lt3A = arith.constant 0 : i32
      %lt3A_158 = arith.cmpi slt, %rem3A_155, %lt3A : i32
      %lt3A_159 = arith.constant 0 : i32
      %lt3A_160 = arith.cmpi slt, %select_n3A_154, %lt3A_159 : i32
      %ne3A_161 = arith.xori %lt3A_158, %lt3A_160 : i1
      %and3A_162 = arith.andi %ne3A_161, %ne3A_157 : i1
      %add3A_163 = arith.addi %rem3A_155, %select_n3A_154 : i32
      %select_n3A_164 = arith.select %and3A_162, %add3A_163, %rem3A_155 : i32
      %add3A_165 = arith.addi %mul3A_149, %select_n3A_164 : i32
      %mul3A_166 = arith.constant 128 : i32
      %mul3A_167 = vector.broadcast %mul3A_166 : i32 to vector<16xi32>
      %mul3A_168 = arith.muli %mul3A_167, %iota3A : vector<16xi32>
      %add3A_169 = vector.broadcast %add3A_165 : i32 to vector<16xi32>
      %add3A_170 = arith.addi %add3A_169, %mul3A_168 : vector<16xi32>
      %mul3A_171 = arith.mulf %select_n3A_126, %div3A_104 : vector<16xf32>
      %lt3A_172 = arith.constant 3 : i32
      %lt3A_173 = vector.broadcast %lt3A_172 : i32 to vector<16xi32>
      %lt3A_174 = arith.cmpi slt, %iota3A, %lt3A_173 : vector<16xi32>
      tpu.vector_store_idx %arg16[%add3A_170], %mul3A_171 masked %lt3A_174 : memref<2048xf32, #tpu.memory_space<vmem>>[vector<16xi32>], vector<16xf32>, vector<16xi1>
      %scan3A_175 = arith.constant 1 : i32
      %scan3A_176 = arith.addi %scan3A_92, %scan3A_175 : i32
      %add3A_177 = vector.broadcast %scan3A_176 : i32 to vector<16xi32>
      %add3A_178 = arith.addi %add3A_177, %iota3A : vector<16xi32>
      %gather3A_179 = tpu.vector_load_idx %arg14[%add3A_178] : memref<528xi32, #tpu.memory_space<vmem>>[vector<16xi32>], vector<16xi32>,
      %slice3A_180 = vector.extract_strided_slice %gather3A_179 {offsets = [0], sizes = [1], strides = [1]} : vector<16xi32> to vector<1xi32>
      %squeeze3A_181 = vector.extract %slice3A_180[0] : i32 from vector<1xi32>
      %eq3A_182 = arith.constant 511 : i32
      %eq3A_183 = arith.cmpi eq, %scan3A_176, %eq3A_182 : i32
      %and3A_184 = arith.andi %eq3A_83, %eq3A_183 : i1
      %slice3A_185 = vector.extract_strided_slice %gather3A_179 {offsets = [1], sizes = [1], strides = [1]} : vector<16xi32> to vector<1xi32>
      %squeeze3A_186 = vector.extract %slice3A_185[0] : i32 from vector<1xi32>
      %jit3A_187 = arith.constant 819200 : i32
      %select_n3A_188 = arith.select %and3A_184, %jit3A_187, %squeeze3A_186 : i32
      %while3A_189:5 = scf.while (%while3A_274 = %squeeze3A_181, %while3A_275 = %while3A#1, %while3A_276 = %broadcast_in_dim3A_82, %while3A_277 = %broadcast_in_dim3A_82, %while3A_278 = %broadcast_in_dim3A_82) : (i32, i32, vector<16xf32>, vector<16xf32>, vector<16xf32>) -> (i32, i32, vector<16xf32>, vector<16xf32>, vector<16xf32>) {
        %lt3A_279 = arith.cmpi slt, %while3A_274, %select_n3A_188 : i32
        scf.condition(%lt3A_279) %while3A_274, %while3A_275, %while3A_276, %while3A_277, %while3A_278 : i32, i32, vector<16xf32>, vector<16xf32>, vector<16xf32>
      } do {
      ^bb0(%while3A_274: i32, %while3A_275: i32, %while3A_276: vector<16xf32>, %while3A_277: vector<16xf32>, %while3A_278: vector<16xf32>):
        %add3A_279 = arith.constant 16 : i32
        %add3A_280 = arith.addi %while3A_274, %add3A_279 : i32
        %add3A_281 = arith.constant 16384 : i32
        %add3A_282 = arith.addi %while3A_275, %add3A_281 : i32
        %gt3A = arith.cmpi sgt, %add3A_280, %add3A_282 : i32
        %jit3A_283 = arith.constant 8 : i32
        %div3A_284 = arith.divsi %while3A_274, %jit3A_283 : i32
        %sign3A_285 = arith.constant 0 : i32
        %sign3A_286 = arith.cmpi sgt, %while3A_274, %sign3A_285 : i32
        %sign3A_287 = arith.extui %sign3A_286 : i1 to i32
        %sign3A_288 = arith.constant 0 : i32
        %sign3A_289 = arith.cmpi slt, %while3A_274, %sign3A_288 : i32
        %sign3A_290 = arith.extui %sign3A_289 : i1 to i32
        %sign3A_291 = arith.subi %sign3A_287, %sign3A_290 : i32
        %sign3A_292 = arith.constant 0 : i32
        %sign3A_293 = arith.cmpi sgt, %jit3A_283, %sign3A_292 : i32
        %sign3A_294 = arith.extui %sign3A_293 : i1 to i32
        %sign3A_295 = arith.constant 0 : i32
        %sign3A_296 = arith.cmpi slt, %jit3A_283, %sign3A_295 : i32
        %sign3A_297 = arith.extui %sign3A_296 : i1 to i32
        %sign3A_298 = arith.subi %sign3A_294, %sign3A_297 : i32
        %ne3A_299 = arith.cmpi ne, %sign3A_291, %sign3A_298 : i32
        %rem3A_300 = arith.remsi %while3A_274, %jit3A_283 : i32
        %ne3A_301 = arith.constant 0 : i32
        %ne3A_302 = arith.cmpi ne, %rem3A_300, %ne3A_301 : i32
        %and3A_303 = arith.andi %ne3A_299, %ne3A_302 : i1
        %sub3A_304 = arith.constant 1 : i32
        %sub3A_305 = arith.subi %div3A_284, %sub3A_304 : i32
        %select_n3A_306 = arith.select %and3A_303, %sub3A_305, %div3A_284 : i32
        %mul3A_307 = arith.constant 8 : i32
        %mul3A_308 = arith.muli %select_n3A_306, %mul3A_307 : i32
        %min3A_309 = arith.constant 802816 : i32
        %min3A_310 = arith.minsi %mul3A_308, %min3A_309 : i32
        %select_n3A_311 = arith.select %gt3A, %min3A_310, %while3A_275 : i32
        %convert_element_type3A_312 = arith.extui %gt3A : i1 to i32
        %cond3A = arith.constant 0 : i32
        %cond3A_313 = arith.cmpi ne, %convert_element_type3A_312, %cond3A : i32
        scf.if %cond3A_313 {
          %multiple_of3A_347 = tpu.assume_multiple %select_n3A_311, 8 : i32
          "tpu.region"() ({
            %run_scoped3A = tpu.sem_alloc : memref<!tpu.dma_semaphore, #tpu.memory_space<semaphore_mem>>
            %dma_start3A_348 = tpu.memref_slice %arg2[%multiple_of3A_347] : memref<819200xi32, #tpu.memory_space<hbm>> -> memref<16384xi32, #tpu.memory_space<hbm>>
            %dma_start3A_349 = tpu.memref_slice %arg2[%multiple_of3A_347] : memref<819200xi32, #tpu.memory_space<hbm>> -> memref<16384xi32, #tpu.memory_space<hbm>>
            tpu.enqueue_dma source(%dma_start3A_349 : memref<16384xi32, #tpu.memory_space<hbm>>) target(%arg15 : memref<16384xi32, #tpu.memory_space<vmem>>) target_semaphore(%run_scoped3A : memref<!tpu.dma_semaphore, #tpu.memory_space<semaphore_mem>>)
            %dma_wait3A_350 = tpu.memref_slice %arg2[%multiple_of3A_347] : memref<819200xi32, #tpu.memory_space<hbm>> -> memref<16384xi32, #tpu.memory_space<hbm>>
            %dma_wait3A_351 = tpu.memref_slice %arg2[%multiple_of3A_347] : memref<819200xi32, #tpu.memory_space<hbm>> -> memref<16384xi32, #tpu.memory_space<hbm>>
            tpu.wait_dma2 semaphore(%run_scoped3A : memref<!tpu.dma_semaphore, #tpu.memory_space<semaphore_mem>>) src(%dma_wait3A_351 : memref<16384xi32, #tpu.memory_space<hbm>>) dst(%arg15 : memref<16384xi32, #tpu.memory_space<vmem>>)
            tpu.yield
          }) : () -> ()
        } else {
        }
        %add3A_314 = vector.broadcast %while3A_274 : i32 to vector<16xi32>
        %add3A_315 = arith.addi %add3A_314, %iota3A : vector<16xi32>
        %sub3A_316 = arith.constant 1 : i32
        %sub3A_317 = arith.subi %select_n3A_188, %sub3A_316 : i32
        %min3A_318 = vector.broadcast %sub3A_317 : i32 to vector<16xi32>
        %min3A_319 = arith.minsi %add3A_315, %min3A_318 : vector<16xi32>
        %sub3A_320 = vector.broadcast %select_n3A_311 : i32 to vector<16xi32>
        %sub3A_321 = arith.subi %min3A_319, %sub3A_320 : vector<16xi32>
        %gather3A_322 = tpu.vector_load_idx %arg15[%sub3A_321] : memref<16384xi32, #tpu.memory_space<vmem>>[vector<16xi32>], vector<16xi32>,
        %add3A_323 = vector.broadcast %while3A_274 : i32 to vector<16xi32>
        %add3A_324 = arith.addi %add3A_323, %iota3A : vector<16xi32>
        %lt3A_325 = vector.broadcast %select_n3A_188 : i32 to vector<16xi32>
        %lt3A_326 = arith.cmpi slt, %add3A_324, %lt3A_325 : vector<16xi32>
        %mul3A_327 = arith.constant 3 : i32
        %mul3A_328 = vector.broadcast %mul3A_327 : i32 to vector<16xi32>
        %mul3A_329 = arith.muli %gather3A_322, %mul3A_328 : vector<16xi32>
        %jit3A_330 = arith.constant 30 : i32
        %broadcast_in_dim3A_331 = vector.broadcast %jit3A_330 : i32 to vector<16xi32>
        %select_n3A_332 = arith.select %lt3A_326, %mul3A_329, %broadcast_in_dim3A_331 : vector<16xi1>, vector<16xi32>
        %gather3A_333 = tpu.vector_load_idx %arg9[%select_n3A_332] : memref<40xf32, #tpu.memory_space<vmem>>[vector<16xi32>], vector<16xf32>,
        %add3A_334 = arith.addf %while3A_276, %gather3A_333 : vector<16xf32>
        %add3A_335 = arith.constant 1 : i32
        %add3A_336 = vector.broadcast %add3A_335 : i32 to vector<16xi32>
        %add3A_337 = arith.addi %select_n3A_332, %add3A_336 : vector<16xi32>
        %gather3A_338 = tpu.vector_load_idx %arg9[%add3A_337] : memref<40xf32, #tpu.memory_space<vmem>>[vector<16xi32>], vector<16xf32>,
        %add3A_339 = arith.addf %while3A_277, %gather3A_338 : vector<16xf32>
        %add3A_340 = arith.constant 2 : i32
        %add3A_341 = vector.broadcast %add3A_340 : i32 to vector<16xi32>
        %add3A_342 = arith.addi %select_n3A_332, %add3A_341 : vector<16xi32>
        %gather3A_343 = tpu.vector_load_idx %arg9[%add3A_342] : memref<40xf32, #tpu.memory_space<vmem>>[vector<16xi32>], vector<16xf32>,
        %add3A_344 = arith.addf %while3A_278, %gather3A_343 : vector<16xf32>
        %add3A_345 = arith.constant 16 : i32
        %add3A_346 = arith.addi %while3A_274, %add3A_345 : i32
        scf.yield %add3A_346, %select_n3A_311, %add3A_334, %add3A_339, %add3A_344 : i32, i32, vector<16xf32>, vector<16xf32>, vector<16xf32>
      }
      %sub3A_190 = arith.subi %select_n3A_188, %squeeze3A_181 : i32
      %broadcast_in_dim3A_191 = vector.broadcast %sub3A_190 : i32 to vector<16xi32>
      %convert_element_type3A_192 = arith.sitofp %broadcast_in_dim3A_191 : vector<16xi32> to vector<16xf32>
      %max3A_193 = arith.constant 1.000000e+00 : f32
      %max3A_194 = vector.broadcast %max3A_193 : f32 to vector<16xf32>
      %max3A_195 = arith.maximumf %convert_element_type3A_192, %max3A_194 : vector<16xf32>
      %div3A_196 = arith.constant 1.000000e+00 : f32
      %div3A_197 = vector.broadcast %div3A_196 : f32 to vector<16xf32>
      %div3A_198 = arith.divf %div3A_197, %max3A_195 : vector<16xf32>
      %eq3A_199 = arith.constant 0 : i32
      %eq3A_200 = vector.broadcast %eq3A_199 : i32 to vector<16xi32>
      %eq3A_201 = arith.cmpi eq, %iota3A, %eq3A_200 : vector<16xi32>
      %reduce_sum3A_202 = arith.constant true
      %reduce_sum3A_203 = vector.broadcast %reduce_sum3A_202 : i1 to vector<16xi1>
      %reduce_sum3A_204 = tpu.scan <sum>, %while3A_189#2 masked %reduce_sum3A_203 : vector<16xf32>, vector<16xi1> -> vector<16xf32>
      %reduce_sum3A_205 = vector.extract %reduce_sum3A_204[15] : f32 from vector<16xf32>
      %eq3A_206 = arith.constant 1 : i32
      %eq3A_207 = vector.broadcast %eq3A_206 : i32 to vector<16xi32>
      %eq3A_208 = arith.cmpi eq, %iota3A, %eq3A_207 : vector<16xi32>
      %reduce_sum3A_209 = arith.constant true
      %reduce_sum3A_210 = vector.broadcast %reduce_sum3A_209 : i1 to vector<16xi1>
      %reduce_sum3A_211 = tpu.scan <sum>, %while3A_189#3 masked %reduce_sum3A_210 : vector<16xf32>, vector<16xi1> -> vector<16xf32>
      %reduce_sum3A_212 = vector.extract %reduce_sum3A_211[15] : f32 from vector<16xf32>
      %reduce_sum3A_213 = arith.constant true
      %reduce_sum3A_214 = vector.broadcast %reduce_sum3A_213 : i1 to vector<16xi1>
      %reduce_sum3A_215 = tpu.scan <sum>, %while3A_189#4 masked %reduce_sum3A_214 : vector<16xf32>, vector<16xi1> -> vector<16xf32>
      %reduce_sum3A_216 = vector.extract %reduce_sum3A_215[15] : f32 from vector<16xf32>
      %broadcast_in_dim3A_217 = vector.broadcast %reduce_sum3A_212 : f32 to vector<16xf32>
      %broadcast_in_dim3A_218 = vector.broadcast %reduce_sum3A_216 : f32 to vector<16xf32>
      %select_n3A_219 = arith.select %eq3A_208, %broadcast_in_dim3A_217, %broadcast_in_dim3A_218 : vector<16xi1>, vector<16xf32>
      %broadcast_in_dim3A_220 = vector.broadcast %reduce_sum3A_205 : f32 to vector<16xf32>
      %select_n3A_221 = arith.select %eq3A_201, %broadcast_in_dim3A_220, %select_n3A_219 : vector<16xi1>, vector<16xf32>
      %jit3A_222 = arith.constant 128 : i32
      %div3A_223 = arith.divsi %scan3A_176, %jit3A_222 : i32
      %sign3A_224 = arith.constant 0 : i32
      %sign3A_225 = arith.cmpi sgt, %scan3A_176, %sign3A_224 : i32
      %sign3A_226 = arith.extui %sign3A_225 : i1 to i32
      %sign3A_227 = arith.constant 0 : i32
      %sign3A_228 = arith.cmpi slt, %scan3A_176, %sign3A_227 : i32
      %sign3A_229 = arith.extui %sign3A_228 : i1 to i32
      %sign3A_230 = arith.subi %sign3A_226, %sign3A_229 : i32
      %sign3A_231 = arith.constant 0 : i32
      %sign3A_232 = arith.cmpi sgt, %jit3A_222, %sign3A_231 : i32
      %sign3A_233 = arith.extui %sign3A_232 : i1 to i32
      %sign3A_234 = arith.constant 0 : i32
      %sign3A_235 = arith.cmpi slt, %jit3A_222, %sign3A_234 : i32
      %sign3A_236 = arith.extui %sign3A_235 : i1 to i32
      %sign3A_237 = arith.subi %sign3A_233, %sign3A_236 : i32
      %ne3A_238 = arith.cmpi ne, %sign3A_230, %sign3A_237 : i32
      %rem3A_239 = arith.remsi %scan3A_176, %jit3A_222 : i32
      %ne3A_240 = arith.constant 0 : i32
      %ne3A_241 = arith.cmpi ne, %rem3A_239, %ne3A_240 : i32
      %and3A_242 = arith.andi %ne3A_238, %ne3A_241 : i1
      %sub3A_243 = arith.constant 1 : i32
      %sub3A_244 = arith.subi %div3A_223, %sub3A_243 : i32
      %select_n3A_245 = arith.select %and3A_242, %sub3A_244, %div3A_223 : i32
      %mul3A_246 = arith.constant 512 : i32
      %mul3A_247 = arith.muli %select_n3A_245, %mul3A_246 : i32
      %jit3A_248 = arith.constant 128 : i32
      %eq3A_249 = arith.constant 0 : i32
      %eq3A_250 = arith.cmpi eq, %jit3A_248, %eq3A_249 : i32
      %jit3A_251 = arith.constant 1 : i32
      %select_n3A_252 = arith.select %eq3A_250, %jit3A_251, %jit3A_248 : i32
      %rem3A_253 = arith.remsi %scan3A_176, %select_n3A_252 : i32
      %ne3A_254 = arith.constant 0 : i32
      %ne3A_255 = arith.cmpi ne, %rem3A_253, %ne3A_254 : i32
      %lt3A_256 = arith.constant 0 : i32
      %lt3A_257 = arith.cmpi slt, %rem3A_253, %lt3A_256 : i32
      %lt3A_258 = arith.constant 0 : i32
      %lt3A_259 = arith.cmpi slt, %select_n3A_252, %lt3A_258 : i32
      %ne3A_260 = arith.xori %lt3A_257, %lt3A_259 : i1
      %and3A_261 = arith.andi %ne3A_260, %ne3A_255 : i1
      %add3A_262 = arith.addi %rem3A_253, %select_n3A_252 : i32
      %select_n3A_263 = arith.select %and3A_261, %add3A_262, %rem3A_253 : i32
      %add3A_264 = arith.addi %mul3A_247, %select_n3A_263 : i32
      %mul3A_265 = arith.constant 128 : i32
      %mul3A_266 = vector.broadcast %mul3A_265 : i32 to vector<16xi32>
      %mul3A_267 = arith.muli %mul3A_266, %iota3A : vector<16xi32>
      %add3A_268 = vector.broadcast %add3A_264 : i32 to vector<16xi32>
      %add3A_269 = arith.addi %add3A_268, %mul3A_267 : vector<16xi32>
      %mul3A_270 = arith.mulf %select_n3A_221, %div3A_198 : vector<16xf32>
      %lt3A_271 = arith.constant 3 : i32
      %lt3A_272 = vector.broadcast %lt3A_271 : i32 to vector<16xi32>
      %lt3A_273 = arith.cmpi slt, %iota3A, %lt3A_272 : vector<16xi32>
      tpu.vector_store_idx %arg16[%add3A_269], %mul3A_270 masked %lt3A_273 : memref<2048xf32, #tpu.memory_space<vmem>>[vector<16xi32>], vector<16xf32>, vector<16xi1>
      scf.yield %while3A_189#1 : i32
    }
    %scan3A_89 = arith.constant 512 : i32
    %mul3A_90 = arith.constant 4 : i32
    %mul3A_91 = arith.muli %multiple_of3A_77, %mul3A_90 : i32
    "tpu.region"() ({
      %run_scoped3A = tpu.sem_alloc : memref<!tpu.dma_semaphore, #tpu.memory_space<semaphore_mem>>
      %dma_start3A_92 = tpu.memref_slice %arg7[%mul3A_91] : memref<65536xf32, #tpu.memory_space<hbm>> -> memref<2048xf32, #tpu.memory_space<hbm>>
      %dma_start3A_93 = tpu.memref_slice %arg7[%mul3A_91] : memref<65536xf32, #tpu.memory_space<hbm>> -> memref<2048xf32, #tpu.memory_space<hbm>>
      tpu.enqueue_dma source(%arg16 : memref<2048xf32, #tpu.memory_space<vmem>>) target(%dma_start3A_93 : memref<2048xf32, #tpu.memory_space<hbm>>) target_semaphore(%run_scoped3A : memref<!tpu.dma_semaphore, #tpu.memory_space<semaphore_mem>>)
      %dma_wait3A_94 = tpu.memref_slice %arg7[%mul3A_91] : memref<65536xf32, #tpu.memory_space<hbm>> -> memref<2048xf32, #tpu.memory_space<hbm>>
      %dma_wait3A_95 = tpu.memref_slice %arg7[%mul3A_91] : memref<65536xf32, #tpu.memory_space<hbm>> -> memref<2048xf32, #tpu.memory_space<hbm>>
      tpu.wait_dma2 semaphore(%run_scoped3A : memref<!tpu.dma_semaphore, #tpu.memory_space<semaphore_mem>>) src(%arg16 : memref<2048xf32, #tpu.memory_space<vmem>>) dst(%dma_wait3A_95 : memref<2048xf32, #tpu.memory_space<hbm>>)
      tpu.yield
    }) : () -> ()
    return
  }
}

</mosaic_0001>

<sc_bundles>
// kernel: kernel.3.cloned.1.call-start
scs
__scs_entry_jumppad:
0x0: {  	(pc) =	sbr.rel $0x88, $3  }
0x1: {  	(tag) =	ssettag $0x0;
	lr =	simm.s32 $0x1  }
0x2: {  	[smem:$0x3F9D] =	sst lr;
	_ =	strace $0xD0000000  }
0x3: {  	_ = 	snop  }
0x4: {  	_ = 	snop  }
0x5: {  	_ = 	snop  }
0x6: {  	_ = 	snop  }
0x7: {  	_ = 	snop  }
__scs_overlays_trampoline_lowered:
0x8: {  	[smem:$0x3FAC] =	sst s0  }
0x9: {  	[smem:$0x3FAD] =	sst s1  }
0xa: {  	[smem:$0x3FAE] =	sst s2  }
0xb: {  	[smem:$0x3FAF] =	sst s3  }
0xc: {  	[smem:$0x3FB0] =	sst s4  }
0xd: {  	[smem:$0x3FB1] =	sst s5  }
0xe: {  	[smem:$0x3FB2] =	sst s6  }
0xf: {  	[smem:$0x3FB3] =	sst s7  }
0x10: {  	[smem:$0x3FB4] =	sst s8  }
0x11: {  	[smem:$0x3FB5] =	sst s9;
	s0 =	simm.s32 @!p0 $0x0  }
0x12: {  	s1 =	sld [smem:$0x3F9B];
	s0 =	simm.s32 @p0 $0x1  }
0x13: {  	[smem:$0x3FB6] =	sst s0;
	s0 =	simm.s32 @!p1 $0x0  }
0x14: {  	s2 =	sld [smem:$0x3F9A];
	s0 =	simm.s32 @p1 $0x1  }
0x15: {  	[smem:$0x3FB7] =	sst s0;
	s0 =	simm.s32 @!p2 $0x0  }
0x16: {  	s3 =	sld [smem:$0x3FDB];
	s0 =	simm.s32 @p2 $0x1  }
0x17: {  	s4 =	simm.s32 $0x1BF5;
	[smem:$0x3FB9] =	sst s0  }
0x18: {  	s0 =	sld [smem:$0x3F9C];
	_ =	swait.ge [sflag:s4], $0x0  }
0x19: {  	s7 =	sld [smem:$0x3F9D]  }
0x1a: {  	s8 =	sadd.s32 $0xFFFFE003, lr  }
0x1b: {  	s9 =	sadd.s32 $0xFFFFFEF7, lr;
	s5 =	simm.s32 $0xFFFFFFFF;
	p2 =	slt.u32 s8, $0xFFFFF086  }
0x1c: {  	p1 =	slt.u32 s9, $0xF7A;
	s5 =	simm.s32 @!p2 $0x0  }
0x1d: {  	s5 =	simm.s32 @p1 $0x1;
	p0 =	seq.s32 s7, s2  }
0x1e: {  	s7 =	smul.u32 @!p0 $0xF7A, s2;
	p2 =	seq.s32 @!p0 s5, $0x0  }
0x1f: {  	s9 =	smul.u32 $0xF7A, s1;
	s8 =	simm.s32 @!p0 $0x1BF5;
	p2 =	por !p2, p0  }
0x20: {  	[sflag:s8] =	ssyncset.s32 @!p0 $0xFFFFF086;
	s6 =	sadd.s32 @!p0 s3, s7;
	s7 =	simm.s32 @!p0 $0x108  }
0x21: {  	s3 =	sadd.s32 s3, s9;
	s6 =	sadd.s32 @!p0 $0x88, s6;
	s7 =	simm.s32 @p2 $0x1082  }
0x22: {  	[simem:s7], [sflag:s8] =	dma.local @!p0 [hbm:s6], $0xF7A  }
0x23: {  	s9 =	sor.u32 $0xD0000000, s2;
	s6 =	simm.s32 $0x108;
	_ =	swait.ge @!p0 [sflag:s8], $0x0  }
0x24: {  	s3 =	sadd.s32 $0x88, s3;
	s6 =	simm.s32 @!p1 $0x1082;
	[sflag:s4] =	ssyncset.s32 $0xFFFFF086  }
0x25: {  	[simem:s6], [sflag:s4] =	dma.local [hbm:s3], $0xF7A  }
0x26: {  	[smem:$0x3F9D] =	sst s1;
	(tag) =	ssettag s2;
	_ =	strace s9  }
0x27: {  	s1 =	sld [smem:$0x3FAD]  }
0x28: {  	s2 =	sld [smem:$0x3FAE]  }
0x29: {  	s4 =	sld [smem:$0x3FB0]  }
0x2a: {  	p0 =	seq.s32 s5, $0x0;
	s5 =	sld [smem:$0x3FB1]  }
0x2b: {  	s6 =	sld [smem:$0x3FB2]  }
0x2c: {  	s7 =	sld [smem:$0x3FB3]  }
0x2d: {  	s3 =	simm.s32 $0x108;
	s8 =	sld [smem:$0x3FB4]  }
0x2e: {  	s3 =	simm.s32 @!p0 $0x1082;
	s9 =	sld [smem:$0x3FB5]  }
0x2f: {  	lr =	sadd.s32 s0, s3;
	s0 =	sld [smem:$0x3FAC]  }
0x30: {  	s3 =	sld [smem:$0x3FAF]  }
0x31: {  	[smem:$0x3FB8] =	sst s10  }
0x32: {  	s10 =	sld [smem:$0x3FB6];
	_ =	sdelay $0x3  }
0x33: {  	p0 =	seq.s32 s10, $0x1;
	s10 =	sld [smem:$0x3FB8];
	_ =	sdelay $0x3  }
0x34: {  	[smem:$0x3FB8] =	sst s10  }
0x35: {  	s10 =	sld [smem:$0x3FB7];
	_ =	sdelay $0x3  }
0x36: {  	p1 =	seq.s32 s10, $0x1;
	s10 =	sld [smem:$0x3FB8];
	_ =	sdelay $0x3  }
0x37: {  	[smem:$0x3FB8] =	sst s10  }
0x38: {  	s10 =	sld [smem:$0x3FB9]  }
0x39: {  	_ = 	snop;
	(pc) =	sbr.ind lr, $3  }
0x3a: {  	_ = 	snop  }
0x3b: {  	_ = 	snop  }
0x3c: {  	p2 =	seq.s32 s10, $0x1;
	s10 =	sld [smem:$0x3FB8]  }
0x3d: {  	_ =	shalt  }
0x3e: {  	_ =	shalt  }
0x3f: {  	_ =	shalt  }
0x40: {  	_ =	shalt  }
0x41: {  	_ =	shalt  }
0x42: {  	_ =	shalt  }
0x43: {  	_ =	shalt  }
0x44: {  	_ =	shalt  }
0x45: {  	_ =	shalt  }
0x46: {  	_ =	shalt  }
0x47: {  	_ =	shalt  }
0x48: {  	_ =	shalt  }
0x49: {  	_ =	shalt  }
0x4a: {  	_ =	shalt  }
0x4b: {  	_ =	shalt  }
0x4c: {  	_ =	shalt  }
0x4d: {  	_ =	shalt  }
0x4e: {  	_ =	shalt  }
0x4f: {  	_ =	shalt  }
0x50: {  	_ =	shalt  }
0x51: {  	_ =	shalt  }
0x52: {  	_ =	shalt  }
0x53: {  	_ =	shalt  }
0x54: {  	_ =	shalt  }
0x55: {  	_ =	shalt  }
0x56: {  	_ =	shalt  }
0x57: {  	_ =	shalt  }
0x58: {  	_ =	shalt  }
0x59: {  	_ =	shalt  }
0x5a: {  	_ =	shalt  }
0x5b: {  	_ =	shalt  }
0x5c: {  	_ =	shalt  }
0x5d: {  	_ =	shalt  }
0x5e: {  	_ =	shalt  }
0x5f: {  	_ =	shalt  }
0x60: {  	_ =	shalt  }
0x61: {  	_ =	shalt  }
0x62: {  	_ =	shalt  }
0x63: {  	_ =	shalt  }
0x64: {  	_ =	shalt  }
0x65: {  	_ =	shalt  }
0x66: {  	_ =	shalt  }
0x67: {  	_ =	shalt  }
0x68: {  	_ =	shalt  }
0x69: {  	_ =	shalt  }
0x6a: {  	_ =	shalt  }
0x6b: {  	_ =	shalt  }
0x6c: {  	_ =	shalt  }
0x6d: {  	_ =	shalt  }
0x6e: {  	_ =	shalt  }
0x6f: {  	_ =	shalt  }
0x70: {  	_ =	shalt  }
0x71: {  	_ =	shalt  }
0x72: {  	_ =	shalt  }
0x73: {  	_ =	shalt  }
0x74: {  	_ =	shalt  }
0x75: {  	_ =	shalt  }
0x76: {  	_ =	shalt  }
0x77: {  	_ =	shalt  }
0x78: {  	_ =	shalt  }
0x79: {  	_ =	shalt  }
0x7a: {  	_ =	shalt  }
0x7b: {  	_ =	shalt  }
0x7c: {  	_ =	shalt  }
0x7d: {  	_ =	shalt  }
0x7e: {  	_ =	shalt  }
0x7f: {  	_ =	shalt  }
0x80: {  	_ =	shalt  }
0x81: {  	_ =	shalt  }
0x82: {  	_ =	shalt  }
0x83: {  	_ =	shalt  }
0x84: {  	_ =	shalt  }
0x85: {  	_ =	shalt  }
0x86: {  	_ =	shalt  }
0x87: {  	_ =	shalt  }
.Lfunc_end0:
.L_simem_size_0:
called_computation_lowered:
.L_overlay_start_0:
0x88: {  	s2 =	sld [smem:$0x3FD9]  }
0x89: {  	s3 =	sld [smem:$0x3FFE];
	_ =	sdelay $0x1  }
0x8a: {  	s1 =	srdreg.scid  }
0x8b: {  	s0 =	sand.u32 $0x1, s1  }
0x8c: {  	s14 =	sshll.u32 s0, $0xA;
	s2 =	sadd.s32 s3, s2  }
0x8d: {  	s2 =	sadd.s32 s2, s14  }
0x8e: {  	[smem:$0x3FC4] =	sst s2  }
0x8f: {  	_ = 	snop  }
0x90: {  	s2 =	sld [smem:$0x3FD0];
	_ =	sdelay $0x1  }
0x91: {  	s15 =	sld [smem:$0x3FC9]  }
0x92: {  	s5 =	simm.s32 $0xA;
	s6 =	simm.s32 $0x10;
	s4 =	sld [smem:$0x3FC8]  }
0x93: {  	[smem:s6], [sflag:s5] =	dma.local [hbm:s2], $0x1  }
0x94: {  	_ =	swait.eq [sflag:s5], $0x1  }
0x95: {  	[sflag:s5] =	ssyncset.done $0x0  }
0x96: {  	s16 =	sld [smem:$0x10];
	[sflag:s5] =	ssyncadd.s32 $0xFFFFFFFF  }
0x97: {  	s17 =	sld [smem:$0x11];
	(tm) =	ssettm $0x1  }
0x98: {  	s18 =	sld [smem:$0x3FFB];
	_ =	sdelay $0x3  }
0x99: {  	_ =	strace s18  }
0x9a: {  	s6 =	sld [smem:$0x3FFC];
	_ =	sdelay $0x3  }
0x9b: {  	_ =	strace s6  }
0x9c: {  	s6 =	sld [smem:$0x3FFD];
	_ =	sdelay $0x3  }
0x9d: {  	_ =	strace s6  }
0x9e: {  	_ =	strace $0x8FFFFFFF  }
0x9f: {  	s19 =	sld [smem:$0x3FDB];
	_ =	sdelay $0x1  }
0xa0: {  	s7 =	simm.s32 $_scs_section_size  }
0xa1: {  	s8 =	simm.s32 $_size__tile_overlayer_lowered;
	s9 =	simm.s32 $_tile_overlayer_lowered  }
0xa2: {  	s22 =	simm.s32 $0x1BFF;
	s21 =	sshll.u32 s9, $0x1;
	s6 =	sadd.s32 s7, s19  }
0xa3: {  	s10 =	simm.s32 $0x0;
	s20 =	sshll.u32 s8, $0x1;
	s8 =	sadd.s32 s21, s6  }
0xa4: {  	[timem:s10], [sflag:s22] =	dma.local [hbm:s8], s20  }
0xa5: {  	_ =	swait.ge [sflag:s22], s20  }
0xa6: {  	s7 =	ssub.s32 $0x0, s20;
	[sflag:s22] =	ssyncset.done $0x0  }
0xa7: {  	[sflag:s22] =	ssyncadd.s32 s7;
	_ =	sdelay $0x1  }
0xa8: {  	s23 =	simm.s32 $0x1B8B  }
0xa9: {  	_ =	swait.ge [sflag:s23], $0x1  }
0xaa: {  	[sflag:s23] =	ssyncset.done $0x0  }
0xab: {  	s25 =	simm.s32 $0x1B8E;
	s24 =	sld [smem:$0x3FFE];
	[sflag:s23] =	ssyncadd.s32 $0xFFFFFFFF  }
0xac: {  	s26 =	simm.s32 $execute0_lowered;
	[smem:$0x3FD2] =	sst s25  }
0xad: {  	s8 =	sshll.u32 s26, $0x1;
	_ =	strace $0x80000046;
	[dreg:$0x1] =	wrdreg $0xFFFFFFFF  }
0xae: {  	s28 =	simm.s32 $_size_execute0_lowered;
	s6 =	sadd.s32 s6, s8;
	[dreg:$0x0] =	wrdreg $0x0  }
0xaf: {  	s8 =	sshll.u32 s28, $0x1;
	[dreg:$0x2] =	wrdreg s6  }
0xb0: {  	[dreg:$0x3] =	wrdreg s8  }
0xb1: {  	[dreg:$0x4] =	wrdreg $0xC0  }
0xb2: {  	_ =	task [dreg:s10], $0x5FFFF  }
0xb3: {  	[dreg:$0x1] =	wrdreg $0xFFFFFFFF  }
0xb4: {  	[dreg:$0x0] =	wrdreg $0x60  }
0xb5: {  	[dreg:$0x2] =	wrdreg s15  }
0xb6: {  	[dreg:$0x3] =	wrdreg s4  }
0xb7: {  	[dreg:$0x4] =	wrdreg s16  }
0xb8: {  	[dreg:$0x5] =	wrdreg s24  }
0xb9: {  	[dreg:$0x6] =	wrdreg s17  }
0xba: {  	[dreg:$0x7] =	wrdreg $0x9  }
0xbb: {  	_ =	task.clear_ibuf [dreg:s10], $0x8FFFF;
	_ =	strace $0x90000046  }
0xbc: {  	s29 =	simm.s32 $0x9;
	_ =	strace $0x80000048  }
0xbd: {  	_ =	swait.ge [sflag:s29], $0x1  }
0xbe: {  	[sflag:s29] =	ssyncadd.s32 $0xFFFFFFFF  }
0xbf: {  	_ =	strace $0x90000048  }
0xc0: {  	_ =	sfence  }
0xc1: {  	s30 =	sld [smem:$0x0];
	_ =	sdelay $0x2  }
0xc2: {  	s31 =	sshll.u32 s1, $0xD;
	s1 =	sshrl.u32 s1, $0x2  }
0xc3: {  	s3 =	sand.u32 $0x4000, s31;
	s1 =	sadd.s32 s1, s30  }
0xc4: {  	s0 =	sor.u32 s3, s0;
	s1 =	sshll.u32 s1, $0x11  }
0xc5: {  	s0 =	sor.u32 s1, s0  }
0xc6: {  	s0 =	sadd.s32 $0x8F2B, s0  }
0xc7: {  	[sflag:s0] =	ssyncadd.remote.s32 $0x1  }
0xc8: {  	_ =	sfence.sel $0xFFFF  }
0xc9: {  	[dreg:$0x0] =	wrdreg $0xFFFFFFFF;
	(pc) =	sbr.abs _section_cstart, $3  }
0xca: {  	[dreg:$0x1] =	wrdreg $0xFFFFFFFF  }
0xcb: {  	_ =	task.clear_ibuf [dreg:s10], $0x2FFFF;
	_ =	strace $0x9FFFFFFF  }
0xcc: {  	(tm) =	ssettm $0x7FFFFFFF  }
0xcd: {  	_ =	shalt  }
tec
execute0_lowered:
.L_overlay_start_1:
0x0: {  	(tag) =	ssettag $0x1  }
0x1: {  	s1 =	rddreg [dreg:$0x0]  }
0x2: {  	s0 =	rddreg [dreg:$0x1]  }
0x3: {  	s2 =	rddreg [dreg:$0x3]  }
0x4: {  	s3 =	rddreg [dreg:$0x4];
	s5 =	srdreg.scid  }
0x5: {  	s6 =	stileid.u32;
	s4 =	simm.s32 $0x0;
	s28 =	simm.s32 $0x4  }
0x6: {  	s29 =	simm.s32 $0xFB00;
	s31 =	simm.s32 $0xFD80;
	s5 =	sand.u32 $0x1, s5  }
0x7: {  	s6 =	sshll.u32 s6, $0x1;
	[smem:$0x7FF] =	sst s4;
	s9 =	sadd.s32 $0xA00, s2  }
0x8: {  	s2 =	sadd.s32 $0xC00, s2;
	s7 =	ssub.s32 $0x2, s5;
	s5 =	sor.u32 s5, s6  }
0x9: {  	_ =	strace $0x80000047;
	[dreg:$0x6] =	wrdreg s9;
	s8 =	smul.u32 $0x6400, s5  }
0xa: {  	s13 =	sshrl.u32 s7, $0x1;
	s10 =	smul.u32 $0x3200, s5;
	s21 =	sshll.u32 s5, $0x9  }
0xb: {  	s25 =	sshll.u32 s5, $0x6;
	s30 =	sshll.u32 s5, $0x8;
	p0 =	seq.s32 s5, $0x1F  }
0xc: {  	s6 =	ssub.s32 s7, s13;
	s9 =	smin.u32 s21, $0x3DF8;
	s14 =	sshrl.u32 s8, $0x3  }
0xd: {  	s15 =	sadd.s32 $0x1900, s8;
	s12 =	sadd.s32 $0x3200, s8;
	s17 =	sadd.s32 s2, s10  }
0xe: {  	s8 =	sadd.s32 $0x4B00, s8;
	s24 =	sshrl.u32 s9, $0x3;
	s7 =	sadd.s32 s1, s14  }
0xf: {  	s16 =	sshrl.u32 s15, $0x3;
	[dreg:$0x9] =	wrdreg s17;
	s18 =	sshrl.u32 s12, $0x3  }
0x10: {  	s19 =	sshrl.u32 s15, $0x1;
	s20 =	sshrl.u32 s8, $0x3;
	s22 =	sshrl.u32 s12, $0x1  }
0x11: {  	s23 =	sshrl.u32 s8, $0x1;
	s26 =	sadd.s32 s0, s24;
	s14 =	sadd.s32 s0, s25  }
0x12: {  	s17 =	smax.u32 s6, $0x1;
	s25 =	simm.s32 $0x1A00;
	s24 =	simm.s32 $0x2  }
0x13: {  	s0 =	simm.s32 $0x13D80;
	[dreg:$0x7] =	wrdreg s7;
	s7 =	sadd.s32 s1, s16  }
0x14: {  	s13 =	sadd.s32 s2, s23;
	s15 =	sadd.s32 $0x40, s26;
	s16 =	sadd.s32 s3, s30  }
.Ltmp0:
0x15: {  	[dreg:$0x8] =	wrdreg s7;
	s7 =	sadd.s32 s1, s18;
	(pc) =	sbr.rel .LBB2_1-.Ltmp0, $4  }
0x16: {  	s26 =	simm.s32 $0x3;
	[dreg:$0xa] =	wrdreg s7;
	s7 =	sadd.s32 s2, s19  }
0x17: {  	s3 =	simm.s32 $0x0;
	[dreg:$0xb] =	wrdreg s7;
	s7 =	sadd.s32 s1, s20  }
0x18: {  	v0 =	vlaneseq.u32;
	s18 =	simm.s32 $0x5;
	[dreg:$0xc] =	wrdreg s7;
	s7 =	sadd.s32 s2, s22  }
0x19: {  	vm0 =	vcmask $0x3F08;
	vm1 =	vcmask $0x3F04;
	v1 =	vmul.u32 $0x80, v0;
	s19 =	simm.s32 $0x80;
	s22 =	simm.s32 $0x1;
	[dreg:$0xd] =	wrdreg s7  }
.LBB2_27:
0x1a: {  	s3 =	sadd.s32 $0x1, s3  }
0x1b: {  	p1 =	sne.s32 s3, s17  }
.Ltmp1:
0x1c: {  	_ = 	snop;
	(pc) =	sbr.rel @!p1 .LBB2_28-.Ltmp1, $4  }
0x1d: {  	[hbm4b:s16+s4] =	stream.linear.scatter [tilespmem:s0], [sflag:$0x5], $0x800, $0x38;
	[tilespmem:$0x14580] =	vst v63  }
0x1e: {  	_ =	swait.ge [sflag:s18], $0x800  }
0x1f: {  	[sflag:s18] =	ssyncset.done $0x0  }
0x20: {  	[sflag:s18] =	ssyncadd.s32 $0xFFFFF800  }
.LBB2_1:
0x21: {  	s2 =	rddreg [dreg:$0x2]  }
0x22: {  	[tilespmem:s4], [sflag:$0x5] =	stream.linear.gather [hbm4b:s2+s4], $0x80, $0x38;
	[tilespmem:$0x14580] =	vst v63  }
0x23: {  	_ =	swait.ge [sflag:s18], $0x80  }
0x24: {  	[sflag:s18] =	ssyncset.done $0x0  }
0x25: {  	s9 =	rddreg [dreg:$0x6];
	[sflag:s18] =	ssyncadd.s32 $0xFFFFFF80  }
0x26: {  	[tilespmem:s19], [sflag:$0x5] =	stream.linear.gather [hbm4b:s9+s4], $0x80, $0x38;
	[tilespmem:$0x14580] =	vst v63  }
0x27: {  	_ =	swait.ge [sflag:s18], $0x80  }
0x28: {  	[sflag:s18] =	ssyncset.done $0x0  }
0x29: {  	s5 =	simm.s32 $0x100;
	s10 =	rddreg [dreg:$0x7];
	[sflag:s18] =	ssyncadd.s32 $0xFFFFFF80  }
0x2a: {  	[tilespmem:s5], [sflag:$0x1] =	stream.linear.gather [hbm4b:s10+s4], $0x1900, $0x38;
	[tilespmem:$0x14580] =	vst v63  }
0x2b: {  	s11 =	rddreg [dreg:$0x8]  }
0x2c: {  	[tilespmem:s25], [sflag:$0x2] =	stream.linear.gather [hbm4b:s11+s4], $0x1900, $0x38;
	[tilespmem:$0x14580] =	vst v63  }
0x2d: {  	_ =	swait.ge [sflag:s22], $0x1900  }
0x2e: {  	[sflag:s22] =	ssyncset.done $0x0  }
0x2f: {  	s12 =	simm.s32 $0x0;
	[sflag:s22] =	ssyncadd.s32 $0xFFFFE700  }
0x30: {  	v2 =	vld [tilespmem:s12+$0x130];
	_ =	sdelay $0x2  }
0x31: {  	v3 =	vld [tilespmem:s12+$0x100]  }
0x32: {  	v4 =	vld [tilespmem:s12+$0x110]  }
0x33: {  	v5 =	vld [tilespmem:s12+$0x120];
	v2 =	vmul.u32 $0x3, v2;
	_ =	sdelay $0x2  }
0x34: {  	s6 =	simm.s32 $0x40;
	v3 =	vmul.u32 $0x3, v3  }
0x35: {  	v11 =	vld [tilespmem:s6+$0x130];
	v4 =	vmul.u32 $0x3, v4  }
0x36: {  	v12 =	vld [tilespmem:s6+$0x100];
	v5 =	vmul.u32 $0x3, v5  }
0x37: {  	v6 =	vld.idx.msk [tilespmem:v2+s4+$0x0], $0xffff  }
0x38: {  	v14 =	vld [tilespmem:s6+$0x110];
	v8 =	vadd.s32 $0x1, v2  }
0x39: {  	s20 =	simm.s32 $0x30;
	s21 =	sand.u32 $0x7E00, s4;
	v16 =	vld [tilespmem:s6+$0x120]  }
0x3a: {  	s7 =	simm.s32 $0x10;
	s2 =	sand.u32 $0x70, s20;
	s5 =	sadd.s32 $0x3300, s21;
	v7 =	vld.idx.msk [tilespmem:v3+s4+$0x0], $0xffff  }
0x3b: {  	s23 =	simm.s32 $0x0;
	s7 =	sand.u32 $0x50, s7;
	s8 =	sor.u32 s2, s5;
	v9 =	vld.idx.msk [tilespmem:v4+s4+$0x0], $0xffff  }
0x3c: {  	s10 =	simm.s32 $0x100;
	s2 =	sand.u32 $0x40, s23;
	s25 =	simm.s32 $0x20;
	v10 =	vld.idx.msk [tilespmem:v5+s4+$0x0], $0xffff;
	[tilespmem:s8+$0x0] =	vst v6;
	v6 =	vadd.s32 $0x1, v3  }
0x3d: {  	s21 =	sor.u32 s7, s5;
	s9 =	sor.u32 s2, s5;
	s6 =	sand.u32 $0x60, s25;
	v13 =	vadd.s32 $0x1, v4;
	v8 =	vld.idx.msk [tilespmem:v8+s4+$0x0], $0xffff  }
0x3e: {  	s2 =	sor.u32 s6, s5;
	s5 =	sand.u32 $0x7E00, s10;
	s10 =	simm.s32 $0x80;
	v11 =	vmul.u32 $0x3, v11;
	v2 =	vadd.s32 $0x2, v2  }
0x3f: {  	v18 =	vld [tilespmem:s10+$0x130];
	[tilespmem:s9+$0x0] =	vst v7  }
0x40: {  	v20 =	vld [tilespmem:s10+$0x100];
	v15 =	vadd.s32 $0x1, v5;
	v7 =	vmul.u32 $0x3, v12;
	[tilespmem:s21+$0x0] =	vst v9  }
0x41: {  	[tilespmem:s2+$0x0] =	vst v10;
	v10 =	vmul.u32 $0x3, v14;
	v6 =	vld.idx.msk [tilespmem:v6+s4+$0x0], $0xffff  }
0x42: {  	v9 =	vld.idx.msk [tilespmem:v13+s4+$0x0], $0xffff;
	[tilespmem:s8+$0x80] =	vst v8  }
0x43: {  	v8 =	vmul.u32 $0x3, v16;
	v13 =	vld.idx.msk [tilespmem:v2+s4+$0x0], $0xffff  }
0x44: {  	v2 =	vld.idx.msk [tilespmem:v11+s4+$0x0], $0xffff  }
0x45: {  	v14 =	vadd.s32 $0x1, v11;
	v12 =	vld.idx.msk [tilespmem:v15+s4+$0x0], $0xffff  }
0x46: {  	s11 =	simm.s32 $0x70;
	[tilespmem:s9+$0x80] =	vst v6;
	v6 =	vld.idx.msk [tilespmem:v7+s4+$0x0], $0xffff  }
0x47: {  	s6 =	sand.u32 $0x70, s11;
	s23 =	sadd.s32 $0x3300, s5;
	v17 =	vadd.s32 $0x1, v7;
	v15 =	vld.idx.msk [tilespmem:v10+s4+$0x0], $0xffff  }
0x48: {  	s12 =	simm.s32 $0x40;
	s20 =	sor.u32 s6, s23;
	v4 =	vadd.s32 $0x2, v4;
	[tilespmem:s21+$0x80] =	vst v9;
	v9 =	vld [tilespmem:s10+$0x110]  }
0x49: {  	s5 =	sand.u32 $0x40, s12;
	v3 =	vadd.s32 $0x2, v3;
	v16 =	vld.idx.msk [tilespmem:v8+s4+$0x0], $0xffff;
	[tilespmem:s20+$0x0] =	vst v2  }
0x4a: {  	s7 =	sor.u32 s5, s23;
	v19 =	vadd.s32 $0x1, v10;
	v14 =	vld.idx.msk [tilespmem:v14+s4+$0x0], $0xffff  }
0x4b: {  	s25 =	simm.s32 $0x50;
	v5 =	vadd.s32 $0x2, v5;
	[tilespmem:s7+$0x0] =	vst v6;
	v6 =	vld [tilespmem:s10+$0x120]  }
0x4c: {  	s30 =	simm.s32 $0x60;
	s11 =	sand.u32 $0x50, s25;
	v21 =	vadd.s32 $0x1, v8;
	v17 =	vld.idx.msk [tilespmem:v17+s4+$0x0], $0xffff  }
0x4d: {  	s12 =	sand.u32 $0x60, s30;
	s5 =	sor.u32 s11, s23;
	[tilespmem:s2+$0x80] =	vst v12;
	v11 =	vadd.s32 $0x2, v11;
	v63 =	vld.idx.msk [tilespmem:v4+s4+$0x0], $0xffff;
	v2 =	vmul.u32 $0x3, v18  }
0x4e: {  	s6 =	sor.u32 s12, s23;
	v3 =	vld.idx.msk [tilespmem:v3+s4+$0x0], $0xffff;
	[tilespmem:s5+$0x0] =	vst v15  }
0x4f: {  	v7 =	vadd.s32 $0x2, v7;
	v18 =	vld.idx.msk [tilespmem:v19+s4+$0x0], $0xffff;
	[tilespmem:s6+$0x0] =	vst v16;
	v16 =	vmul.u32 $0x3, v20  }
0x50: {  	v12 =	vld.idx.msk [tilespmem:v5+s4+$0x0], $0xffff;
	v20 =	vmul.u32 $0x3, v9;
	[tilespmem:s20+$0x80] =	vst v14  }
0x51: {  	v19 =	vld.idx.msk [tilespmem:v21+s4+$0x0], $0xffff;
	[tilespmem:s7+$0x80] =	vst v17;
	v17 =	vmul.u32 $0x3, v6  }
0x52: {  	[tilespmem:s8+$0x100] =	vst v13;
	v14 =	vld.idx.msk [tilespmem:v11+s4+$0x0], $0xffff  }
0x53: {  	[tilespmem:s9+$0x100] =	vst v3;
	v15 =	vld.idx.msk [tilespmem:v2+s4+$0x0], $0xffff  }
0x54: {  	s30 =	simm.s32 $0xB0;
	v4 =	vadd.s32 $0x2, v8;
	v3 =	vadd.s32 $0x2, v10;
	[tilespmem:s5+$0x80] =	vst v18;
	v18 =	vadd.s32 $0x1, v2;
	v11 =	vld.idx.msk [tilespmem:v7+s4+$0x0], $0xffff  }
0x55: {  	s25 =	simm.s32 $0x200;
	s23 =	sand.u32 $0x70, s30;
	[tilespmem:s21+$0x100] =	vst v63;
	v8 =	vadd.s32 $0x1, v16;
	v5 =	vadd.s32 $0x2, v16;
	v9 =	vadd.s32 $0x1, v20;
	v13 =	vld.idx.msk [tilespmem:v16+s4+$0x0], $0xffff  }
0x56: {  	s8 =	simm.s32 $0x8;
	s10 =	sand.u32 $0x7E00, s25;
	s9 =	simm.s32 $0x300;
	v6 =	vadd.s32 $0x2, v20;
	[tilespmem:s6+$0x80] =	vst v19;
	v10 =	vadd.s32 $0x1, v17;
	v7 =	vadd.s32 $0x2, v17;
	v16 =	vld.idx.msk [tilespmem:v20+s4+$0x0], $0xffff  }
.LBB2_2:
0x57: {  	s21 =	sshra.s32 s9, $0x2;
	s8 =	sadd.s32 $0x4, s8;
	s10 =	sadd.s32 $0x3300, s10;
	v17 =	vld.idx.msk [tilespmem:v17+s4+$0x0], $0xffff;
	[tilespmem:s20+$0x100] =	vst v14  }
0x58: {  	s25 =	sadd.s32 $0xFFFFFFD0, s30;
	v14 =	vld [tilespmem:s21+$0x130];
	p1 =	slt.u32 s8, $0x18C;
	s20 =	sor.u32 s23, s10;
	[tilespmem:s2+$0x100] =	vst v12  }
0x59: {  	s2 =	sand.u32 $0x40, s25;
	s23 =	sadd.s32 $0xFFFFFFE0, s30;
	s25 =	sadd.s32 $0xFFFFFFF0, s30;
	v12 =	vld [tilespmem:s21+$0x100];
	[tilespmem:s20+$0x0] =	vst v15  }
0x5a: {  	s11 =	sor.u32 s2, s10;
	s2 =	sand.u32 $0x50, s23;
	s23 =	sand.u32 $0x60, s25;
	v15 =	vld.idx.msk [tilespmem:v18+s4+$0x0], $0xffff  }
0x5b: {  	s25 =	smov.u32 s5;
	s23 =	sor.u32 s23, s10;
	s5 =	sor.u32 s2, s10;
	v18 =	vld [tilespmem:s21+$0x110];
	[tilespmem:s11+$0x0] =	vst v13  }
0x5c: {  	s2 =	smov.u32 s6;
	s6 =	smov.u32 s23;
	v13 =	vld [tilespmem:s21+$0x120];
	[tilespmem:s5+$0x0] =	vst v16;
	v16 =	vadd.s32 $0x2, v2  }
0x5d: {  	v2 =	vmul.u32 $0x3, v14;
	v19 =	vld.idx.msk [tilespmem:v8+s4+$0x0], $0xffff;
	[tilespmem:s6+$0x0] =	vst v17  }
0x5e: {  	v20 =	vmul.u32 $0x3, v12;
	v21 =	vld.idx.msk [tilespmem:v9+s4+$0x0], $0xffff;
	[tilespmem:s7+$0x100] =	vst v11;
	s7 =	smov.u32 s11  }
0x5f: {  	v22 =	vld.idx.msk [tilespmem:v10+s4+$0x0], $0xffff  }
0x60: {  	v8 =	vadd.s32 $0x1, v20;
	v23 =	vadd.s32 $0x2, v20;
	v24 =	vmul.u32 $0x3, v18;
	[tilespmem:s20+$0x80] =	vst v15;
	v25 =	vld.idx.msk [tilespmem:v3+s4+$0x0], $0xffff;
	v3 =	vmovc v6  }
0x61: {  	v17 =	vmul.u32 $0x3, v13;
	v14 =	vld.idx.msk [tilespmem:v16+s4+$0x0], $0xffff  }
.Ltmp2:
0x62: {  	v9 =	vadd.s32 $0x1, v24;
	v6 =	vadd.s32 $0x2, v24;
	v12 =	vld.idx.msk [tilespmem:v4+s4+$0x0], $0xffff;
	v4 =	vmov v7;
	(pc) =	sbr.rel @p1 .LBB2_2-.Ltmp2, $4  }
0x63: {  	v10 =	vadd.s32 $0x1, v17;
	v7 =	vadd.s32 $0x2, v17;
	v15 =	vld.idx.msk [tilespmem:v2+s4+$0x0], $0xffff;
	[tilespmem:s7+$0x80] =	vst v19  }
0x64: {  	v13 =	vld.idx.msk [tilespmem:v20+s4+$0x0], $0xffff;
	[tilespmem:s5+$0x80] =	vst v21  }
0x65: {  	s30 =	sadd.s32 $0x40, s30;
	v18 =	vadd.s32 $0x1, v2;
	v11 =	vld.idx.msk [tilespmem:v5+s4+$0x0], $0xffff;
	[tilespmem:s6+$0x80] =	vst v22;
	v5 =	vmov v23  }
0x66: {  	s10 =	sand.u32 $0x7E00, s9;
	s9 =	sadd.s32 $0x100, s9;
	s23 =	sand.u32 $0x70, s30;
	v16 =	vld.idx.msk [tilespmem:v24+s4+$0x0], $0xffff;
	[tilespmem:s25+$0x100] =	vst v25  }
0x67: {  	_ =	sdelay $0x3  }
0x68: {  	s8 =	sadd.s32 $0x3300, s10;
	v17 =	vld.idx.msk [tilespmem:v17+s4+$0x0], $0xffff;
	s9 =	sadd.s32 $0xFFFFFFD0, s30  }
0x69: {  	s11 =	sadd.s32 $0xFFFFFFE0, s30;
	[tilespmem:s20+$0x100] =	vst v14;
	s10 =	sor.u32 s23, s8;
	s9 =	sand.u32 $0x40, s9  }
0x6a: {  	s25 =	sadd.s32 $0xFFFFFFF0, s30;
	s11 =	sand.u32 $0x50, s11;
	[tilespmem:s10+$0x0] =	vst v15;
	s9 =	sor.u32 s9, s8  }
0x6b: {  	s20 =	sand.u32 $0x60, s25;
	s11 =	sor.u32 s11, s8;
	v14 =	vld.idx.msk [tilespmem:v18+s4+$0x0], $0xffff;
	[tilespmem:s9+$0x0] =	vst v13  }
0x6c: {  	v2 =	vadd.s32 $0x2, v2;
	s8 =	sor.u32 s20, s8;
	[tilespmem:s11+$0x0] =	vst v16;
	v8 =	vld.idx.msk [tilespmem:v8+s4+$0x0], $0xffff  }
0x6d: {  	[tilespmem:s8+$0x0] =	vst v17;
	v9 =	vld.idx.msk [tilespmem:v9+s4+$0x0], $0xffff  }
0x6e: {  	[tilespmem:s2+$0x100] =	vst v12;
	v10 =	vld.idx.msk [tilespmem:v10+s4+$0x0], $0xffff  }
0x6f: {  	v3 =	vld.idx.msk [tilespmem:v3+s4+$0x0], $0xffff;
	[tilespmem:s7+$0x100] =	vst v11  }
0x70: {  	v4 =	vld.idx.msk [tilespmem:v4+s4+$0x0], $0xffff;
	[tilespmem:s10+$0x80] =	vst v14  }
0x71: {  	v2 =	vld.idx.msk [tilespmem:v2+s4+$0x0], $0xffff;
	[tilespmem:s9+$0x80] =	vst v8  }
0x72: {  	[tilespmem:s11+$0x80] =	vst v9;
	v5 =	vld.idx.msk [tilespmem:v5+s4+$0x0], $0xffff  }
0x73: {  	[tilespmem:s8+$0x80] =	vst v10;
	v6 =	vld.idx.msk [tilespmem:v6+s4+$0x0], $0xffff  }
0x74: {  	[tilespmem:s5+$0x100] =	vst v3;
	v3 =	vld.idx.msk [tilespmem:v7+s4+$0x0], $0xffff  }
0x75: {  	[tilespmem:s6+$0x100] =	vst v4  }
0x76: {  	[tilespmem:s10+$0x100] =	vst v2  }
0x77: {  	[tilespmem:s9+$0x100] =	vst v5  }
0x78: {  	[tilespmem:s11+$0x100] =	vst v6  }
0x79: {  	[tilespmem:s8+$0x100] =	vst v3  }
0x7a: {  	s7 =	simm.s32 $0x0;
	s8 =	simm.s32 $0x3300;
	s5 =	rddreg [dreg:$0x9]  }
0x7b: {  	[hbm4b:s5+s7] =	stream.linear.scatter [tilespmem:s8], [sflag:$0x3], $0x6400, $0x38;
	[tilespmem:$0x14580] =	vst v63  }
0x7c: {  	s10 =	simm.s32 $0x100;
	s9 =	rddreg [dreg:$0xa]  }
0x7d: {  	[tilespmem:s10], [sflag:$0x1] =	stream.linear.gather [hbm4b:s9+s7], $0x1900, $0x38;
	[tilespmem:$0x14580] =	vst v63  }
0x7e: {  	_ =	swait.ge [sflag:s24], $0x1900  }
0x7f: {  	[sflag:s24] =	ssyncset.done $0x0  }
0x80: {  	s11 =	simm.s32 $0x0;
	[sflag:s24] =	ssyncadd.s32 $0xFFFFE700  }
0x81: {  	v2 =	vld [tilespmem:s11+$0x1A30];
	_ =	sdelay $0x2  }
0x82: {  	v3 =	vld [tilespmem:s11+$0x1A00]  }
0x83: {  	v4 =	vld [tilespmem:s11+$0x1A10]  }
0x84: {  	v5 =	vld [tilespmem:s11+$0x1A20];
	v2 =	vmul.u32 $0x3, v2;
	_ =	sdelay $0x2  }
0x85: {  	v3 =	vmul.u32 $0x3, v3  }
0x86: {  	s20 =	simm.s32 $0x40;
	v4 =	vmul.u32 $0x3, v4  }
0x87: {  	v11 =	vld [tilespmem:s20+$0x1A30];
	v5 =	vmul.u32 $0x3, v5  }
0x88: {  	v6 =	vld.idx.msk [tilespmem:v2+s4+$0x0], $0xffff  }
0x89: {  	v12 =	vld [tilespmem:s20+$0x1A00];
	v8 =	vadd.s32 $0x1, v2  }
0x8a: {  	s12 =	simm.s32 $0x30;
	s2 =	sand.u32 $0x7E00, s7;
	v14 =	vld [tilespmem:s20+$0x1A10]  }
0x8b: {  	s2 =	sadd.s32 $0x9700, s2;
	s5 =	sand.u32 $0x70, s12;
	v7 =	vld.idx.msk [tilespmem:v3+s4+$0x0], $0xffff  }
0x8c: {  	s21 =	simm.s32 $0x0;
	s8 =	sor.u32 s5, s2;
	v9 =	vld.idx.msk [tilespmem:v4+s4+$0x0], $0xffff  }
0x8d: {  	s23 =	simm.s32 $0x10;
	s5 =	sand.u32 $0x40, s21;
	v10 =	vld.idx.msk [tilespmem:v5+s4+$0x0], $0xffff;
	[tilespmem:s8+$0x0] =	vst v6;
	v6 =	vadd.s32 $0x1, v3  }
0x8e: {  	s25 =	simm.s32 $0x20;
	s9 =	sor.u32 s5, s2;
	s10 =	simm.s32 $0x100;
	v13 =	vadd.s32 $0x1, v4;
	v8 =	vld.idx.msk [tilespmem:v8+s4+$0x0], $0xffff  }
0x8f: {  	s7 =	sand.u32 $0x50, s23;
	s5 =	sand.u32 $0x7E00, s10;
	s10 =	simm.s32 $0x80;
	v16 =	vld [tilespmem:s20+$0x1A20];
	v11 =	vmul.u32 $0x3, v11;
	v2 =	vadd.s32 $0x2, v2  }
0x90: {  	s6 =	sand.u32 $0x60, s25;
	s21 =	sor.u32 s7, s2;
	v18 =	vld [tilespmem:s10+$0x1A30];
	[tilespmem:s9+$0x0] =	vst v7  }
0x91: {  	s2 =	sor.u32 s6, s2;
	v20 =	vld [tilespmem:s10+$0x1A00];
	v15 =	vadd.s32 $0x1, v5;
	v7 =	vmul.u32 $0x3, v12;
	[tilespmem:s21+$0x0] =	vst v9  }
0x92: {  	[tilespmem:s2+$0x0] =	vst v10;
	v10 =	vmul.u32 $0x3, v14;
	v6 =	vld.idx.msk [tilespmem:v6+s4+$0x0], $0xffff  }
0x93: {  	v9 =	vld.idx.msk [tilespmem:v13+s4+$0x0], $0xffff;
	[tilespmem:s8+$0x80] =	vst v8  }
0x94: {  	v8 =	vmul.u32 $0x3, v16;
	v13 =	vld.idx.msk [tilespmem:v2+s4+$0x0], $0xffff  }
0x95: {  	v2 =	vld.idx.msk [tilespmem:v11+s4+$0x0], $0xffff  }
0x96: {  	v14 =	vadd.s32 $0x1, v11;
	v12 =	vld.idx.msk [tilespmem:v15+s4+$0x0], $0xffff  }
0x97: {  	s11 =	simm.s32 $0x70;
	[tilespmem:s9+$0x80] =	vst v6;
	v6 =	vld.idx.msk [tilespmem:v7+s4+$0x0], $0xffff  }
0x98: {  	s6 =	sand.u32 $0x70, s11;
	s11 =	sadd.s32 $0x9700, s5;
	v17 =	vadd.s32 $0x1, v7;
	v15 =	vld.idx.msk [tilespmem:v10+s4+$0x0], $0xffff  }
0x99: {  	s12 =	simm.s32 $0x40;
	s20 =	sor.u32 s6, s11;
	v4 =	vadd.s32 $0x2, v4;
	[tilespmem:s21+$0x80] =	vst v9;
	v9 =	vld [tilespmem:s10+$0x1A10]  }
0x9a: {  	s5 =	sand.u32 $0x40, s12;
	v3 =	vadd.s32 $0x2, v3;
	v16 =	vld.idx.msk [tilespmem:v8+s4+$0x0], $0xffff;
	[tilespmem:s20+$0x0] =	vst v2  }
0x9b: {  	s7 =	sor.u32 s5, s11;
	v19 =	vadd.s32 $0x1, v10;
	v14 =	vld.idx.msk [tilespmem:v14+s4+$0x0], $0xffff  }
0x9c: {  	s23 =	simm.s32 $0x50;
	v5 =	vadd.s32 $0x2, v5;
	[tilespmem:s7+$0x0] =	vst v6;
	v6 =	vld [tilespmem:s10+$0x1A20]  }
0x9d: {  	s25 =	simm.s32 $0x60;
	s12 =	sand.u32 $0x50, s23;
	v21 =	vadd.s32 $0x1, v8;
	v17 =	vld.idx.msk [tilespmem:v17+s4+$0x0], $0xffff  }
0x9e: {  	s23 =	sand.u32 $0x60, s25;
	s5 =	sor.u32 s12, s11;
	[tilespmem:s2+$0x80] =	vst v12;
	v11 =	vadd.s32 $0x2, v11;
	v63 =	vld.idx.msk [tilespmem:v4+s4+$0x0], $0xffff;
	v2 =	vmul.u32 $0x3, v18  }
0x9f: {  	s6 =	sor.u32 s23, s11;
	v3 =	vld.idx.msk [tilespmem:v3+s4+$0x0], $0xffff;
	[tilespmem:s5+$0x0] =	vst v15  }
0xa0: {  	v7 =	vadd.s32 $0x2, v7;
	v18 =	vld.idx.msk [tilespmem:v19+s4+$0x0], $0xffff;
	[tilespmem:s6+$0x0] =	vst v16;
	v16 =	vmul.u32 $0x3, v20  }
0xa1: {  	v12 =	vld.idx.msk [tilespmem:v5+s4+$0x0], $0xffff;
	v20 =	vmul.u32 $0x3, v9;
	[tilespmem:s20+$0x80] =	vst v14  }
0xa2: {  	v19 =	vld.idx.msk [tilespmem:v21+s4+$0x0], $0xffff;
	[tilespmem:s7+$0x80] =	vst v17;
	v17 =	vmul.u32 $0x3, v6  }
0xa3: {  	[tilespmem:s8+$0x100] =	vst v13;
	v14 =	vld.idx.msk [tilespmem:v11+s4+$0x0], $0xffff  }
0xa4: {  	[tilespmem:s9+$0x100] =	vst v3;
	v15 =	vld.idx.msk [tilespmem:v2+s4+$0x0], $0xffff  }
0xa5: {  	s30 =	simm.s32 $0xB0;
	v4 =	vadd.s32 $0x2, v8;
	v3 =	vadd.s32 $0x2, v10;
	[tilespmem:s5+$0x80] =	vst v18;
	v18 =	vadd.s32 $0x1, v2;
	v11 =	vld.idx.msk [tilespmem:v7+s4+$0x0], $0xffff  }
0xa6: {  	s25 =	simm.s32 $0x200;
	s23 =	sand.u32 $0x70, s30;
	[tilespmem:s21+$0x100] =	vst v63;
	v8 =	vadd.s32 $0x1, v16;
	v5 =	vadd.s32 $0x2, v16;
	v9 =	vadd.s32 $0x1, v20;
	v13 =	vld.idx.msk [tilespmem:v16+s4+$0x0], $0xffff  }
0xa7: {  	s8 =	simm.s32 $0x8;
	s10 =	sand.u32 $0x7E00, s25;
	s9 =	simm.s32 $0x300;
	v6 =	vadd.s32 $0x2, v20;
	[tilespmem:s6+$0x80] =	vst v19;
	v10 =	vadd.s32 $0x1, v17;
	v7 =	vadd.s32 $0x2, v17;
	v16 =	vld.idx.msk [tilespmem:v20+s4+$0x0], $0xffff  }
.LBB2_4:
0xa8: {  	s11 =	sshra.s32 s9, $0x2;
	s8 =	sadd.s32 $0x4, s8;
	s10 =	sadd.s32 $0x9700, s10;
	v17 =	vld.idx.msk [tilespmem:v17+s4+$0x0], $0xffff;
	[tilespmem:s20+$0x100] =	vst v14  }
0xa9: {  	s21 =	sadd.s32 $0xFFFFFFD0, s30;
	v14 =	vld [tilespmem:s11+$0x1A30];
	p1 =	slt.u32 s8, $0x18C;
	s20 =	sor.u32 s23, s10;
	[tilespmem:s2+$0x100] =	vst v12  }
0xaa: {  	s2 =	sand.u32 $0x40, s21;
	s21 =	sadd.s32 $0xFFFFFFE0, s30;
	s23 =	sadd.s32 $0xFFFFFFF0, s30;
	v12 =	vld [tilespmem:s11+$0x1A00];
	[tilespmem:s20+$0x0] =	vst v15  }
0xab: {  	s25 =	sor.u32 s2, s10;
	s2 =	sand.u32 $0x50, s21;
	s21 =	sand.u32 $0x60, s23;
	v15 =	vld.idx.msk [tilespmem:v18+s4+$0x0], $0xffff  }
0xac: {  	s12 =	smov.u32 s5;
	s21 =	sor.u32 s21, s10;
	s5 =	sor.u32 s2, s10;
	v18 =	vld [tilespmem:s11+$0x1A10];
	[tilespmem:s25+$0x0] =	vst v13  }
0xad: {  	s2 =	smov.u32 s6;
	s6 =	smov.u32 s21;
	v13 =	vld [tilespmem:s11+$0x1A20];
	[tilespmem:s5+$0x0] =	vst v16;
	v16 =	vadd.s32 $0x2, v2  }
0xae: {  	v2 =	vmul.u32 $0x3, v14;
	v19 =	vld.idx.msk [tilespmem:v8+s4+$0x0], $0xffff;
	[tilespmem:s6+$0x0] =	vst v17  }
0xaf: {  	v20 =	vmul.u32 $0x3, v12;
	v21 =	vld.idx.msk [tilespmem:v9+s4+$0x0], $0xffff;
	[tilespmem:s7+$0x100] =	vst v11;
	s7 =	smov.u32 s25  }
0xb0: {  	v22 =	vld.idx.msk [tilespmem:v10+s4+$0x0], $0xffff  }
0xb1: {  	v8 =	vadd.s32 $0x1, v20;
	v23 =	vadd.s32 $0x2, v20;
	v24 =	vmul.u32 $0x3, v18;
	[tilespmem:s20+$0x80] =	vst v15;
	v25 =	vld.idx.msk [tilespmem:v3+s4+$0x0], $0xffff;
	v3 =	vmovc v6  }
0xb2: {  	v17 =	vmul.u32 $0x3, v13;
	v14 =	vld.idx.msk [tilespmem:v16+s4+$0x0], $0xffff  }
.Ltmp3:
0xb3: {  	v9 =	vadd.s32 $0x1, v24;
	v6 =	vadd.s32 $0x2, v24;
	v12 =	vld.idx.msk [tilespmem:v4+s4+$0x0], $0xffff;
	v4 =	vmov v7;
	(pc) =	sbr.rel @p1 .LBB2_4-.Ltmp3, $4  }
0xb4: {  	v10 =	vadd.s32 $0x1, v17;
	v7 =	vadd.s32 $0x2, v17;
	v15 =	vld.idx.msk [tilespmem:v2+s4+$0x0], $0xffff;
	[tilespmem:s7+$0x80] =	vst v19  }
0xb5: {  	v13 =	vld.idx.msk [tilespmem:v20+s4+$0x0], $0xffff;
	[tilespmem:s5+$0x80] =	vst v21  }
0xb6: {  	s30 =	sadd.s32 $0x40, s30;
	v18 =	vadd.s32 $0x1, v2;
	v11 =	vld.idx.msk [tilespmem:v5+s4+$0x0], $0xffff;
	[tilespmem:s6+$0x80] =	vst v22;
	v5 =	vmov v23  }
0xb7: {  	s23 =	sand.u32 $0x70, s30;
	s10 =	sand.u32 $0x7E00, s9;
	s9 =	sadd.s32 $0x100, s9;
	v16 =	vld.idx.msk [tilespmem:v24+s4+$0x0], $0xffff;
	[tilespmem:s12+$0x100] =	vst v25  }
0xb8: {  	_ =	sdelay $0x3  }
0xb9: {  	s8 =	sadd.s32 $0x9700, s10;
	v17 =	vld.idx.msk [tilespmem:v17+s4+$0x0], $0xffff;
	s9 =	sadd.s32 $0xFFFFFFD0, s30  }
0xba: {  	s11 =	sadd.s32 $0xFFFFFFE0, s30;
	[tilespmem:s20+$0x100] =	vst v14;
	s10 =	sor.u32 s23, s8;
	s9 =	sand.u32 $0x40, s9  }
0xbb: {  	s12 =	sadd.s32 $0xFFFFFFF0, s30;
	s11 =	sand.u32 $0x50, s11;
	[tilespmem:s10+$0x0] =	vst v15;
	s9 =	sor.u32 s9, s8  }
0xbc: {  	s12 =	sand.u32 $0x60, s12;
	s11 =	sor.u32 s11, s8;
	v14 =	vld.idx.msk [tilespmem:v18+s4+$0x0], $0xffff;
	[tilespmem:s9+$0x0] =	vst v13  }
0xbd: {  	v2 =	vadd.s32 $0x2, v2;
	s8 =	sor.u32 s12, s8;
	[tilespmem:s11+$0x0] =	vst v16;
	v8 =	vld.idx.msk [tilespmem:v8+s4+$0x0], $0xffff  }
0xbe: {  	[tilespmem:s8+$0x0] =	vst v17;
	v9 =	vld.idx.msk [tilespmem:v9+s4+$0x0], $0xffff  }
0xbf: {  	[tilespmem:s2+$0x100] =	vst v12;
	v10 =	vld.idx.msk [tilespmem:v10+s4+$0x0], $0xffff  }
0xc0: {  	v3 =	vld.idx.msk [tilespmem:v3+s4+$0x0], $0xffff;
	[tilespmem:s7+$0x100] =	vst v11  }
0xc1: {  	v4 =	vld.idx.msk [tilespmem:v4+s4+$0x0], $0xffff;
	[tilespmem:s10+$0x80] =	vst v14  }
0xc2: {  	v2 =	vld.idx.msk [tilespmem:v2+s4+$0x0], $0xffff;
	[tilespmem:s9+$0x80] =	vst v8  }
0xc3: {  	[tilespmem:s11+$0x80] =	vst v9;
	v5 =	vld.idx.msk [tilespmem:v5+s4+$0x0], $0xffff  }
0xc4: {  	[tilespmem:s8+$0x80] =	vst v10;
	v6 =	vld.idx.msk [tilespmem:v6+s4+$0x0], $0xffff  }
0xc5: {  	[tilespmem:s5+$0x100] =	vst v3;
	v3 =	vld.idx.msk [tilespmem:v7+s4+$0x0], $0xffff  }
0xc6: {  	[tilespmem:s6+$0x100] =	vst v4  }
0xc7: {  	[tilespmem:s10+$0x100] =	vst v2  }
0xc8: {  	[tilespmem:s9+$0x100] =	vst v5  }
0xc9: {  	[tilespmem:s11+$0x100] =	vst v6  }
0xca: {  	[tilespmem:s8+$0x100] =	vst v3  }
0xcb: {  	s20 =	simm.s32 $0x9700;
	s12 =	simm.s32 $0x0;
	s5 =	rddreg [dreg:$0xb]  }
0xcc: {  	[hbm4b:s5+s12] =	stream.linear.scatter [tilespmem:s20], [sflag:$0x4], $0x6400, $0x38;
	[tilespmem:$0x14580] =	vst v63  }
0xcd: {  	s25 =	simm.s32 $0x1A00;
	s21 =	rddreg [dreg:$0xc]  }
0xce: {  	[tilespmem:s25], [sflag:$0x2] =	stream.linear.gather [hbm4b:s21+s12], $0x1900, $0x38;
	[tilespmem:$0x14580] =	vst v63  }
0xcf: {  	_ =	swait.ge [sflag:s22], $0x1900  }
0xd0: {  	[sflag:s22] =	ssyncset.done $0x0  }
0xd1: {  	[sflag:s22] =	ssyncadd.s32 $0xFFFFE700  }
0xd2: {  	_ =	swait.ge [sflag:s26], $0x6400  }
0xd3: {  	[sflag:s26] =	ssyncset.done $0x0  }
0xd4: {  	s23 =	simm.s32 $0x0;
	[sflag:s26] =	ssyncadd.s32 $0xFFFF9C00  }
0xd5: {  	v2 =	vld [tilespmem:s23+$0x130];
	_ =	sdelay $0x2  }
0xd6: {  	v3 =	vld [tilespmem:s23+$0x100]  }
0xd7: {  	v4 =	vld [tilespmem:s23+$0x110]  }
0xd8: {  	v5 =	vld [tilespmem:s23+$0x120];
	v2 =	vmul.u32 $0x3, v2;
	_ =	sdelay $0x2  }
0xd9: {  	v3 =	vmul.u32 $0x3, v3  }
0xda: {  	s7 =	simm.s32 $0x40;
	v4 =	vmul.u32 $0x3, v4  }
0xdb: {  	v11 =	vld [tilespmem:s7+$0x130];
	v5 =	vmul.u32 $0x3, v5  }
0xdc: {  	v6 =	vld.idx.msk [tilespmem:v2+s4+$0x0], $0xffff  }
0xdd: {  	v12 =	vld [tilespmem:s7+$0x100];
	v8 =	vadd.s32 $0x1, v2  }
0xde: {  	s2 =	sand.u32 $0x7E00, s12;
	s6 =	simm.s32 $0x30;
	v14 =	vld [tilespmem:s7+$0x110]  }
0xdf: {  	s2 =	sadd.s32 $0x3300, s2;
	s5 =	sand.u32 $0x70, s6;
	v7 =	vld.idx.msk [tilespmem:v3+s4+$0x0], $0xffff  }
0xe0: {  	s8 =	sor.u32 s5, s2;
	v9 =	vld.idx.msk [tilespmem:v4+s4+$0x0], $0xffff  }
0xe1: {  	s9 =	simm.s32 $0x0;
	v10 =	vld.idx.msk [tilespmem:v5+s4+$0x0], $0xffff;
	[tilespmem:s8+$0x0] =	vst v6;
	v6 =	vadd.s32 $0x1, v3  }
0xe2: {  	s10 =	simm.s32 $0x10;
	s11 =	simm.s32 $0x20;
	s5 =	sand.u32 $0x40, s9;
	v13 =	vadd.s32 $0x1, v4;
	v8 =	vld.idx.msk [tilespmem:v8+s4+$0x0], $0xffff  }
0xe3: {  	s9 =	sor.u32 s5, s2;
	s12 =	sand.u32 $0x50, s10;
	s10 =	simm.s32 $0x80;
	v16 =	vld [tilespmem:s7+$0x120];
	v11 =	vmul.u32 $0x3, v11;
	v2 =	vadd.s32 $0x2, v2  }
0xe4: {  	s6 =	sand.u32 $0x60, s11;
	s21 =	sor.u32 s12, s2;
	v18 =	vld [tilespmem:s10+$0x130];
	[tilespmem:s9+$0x0] =	vst v7  }
0xe5: {  	s2 =	sor.u32 s6, s2;
	v20 =	vld [tilespmem:s10+$0x100];
	v15 =	vadd.s32 $0x1, v5;
	v7 =	vmul.u32 $0x3, v12;
	[tilespmem:s21+$0x0] =	vst v9  }
0xe6: {  	[tilespmem:s2+$0x0] =	vst v10;
	v10 =	vmul.u32 $0x3, v14;
	v6 =	vld.idx.msk [tilespmem:v6+s4+$0x0], $0xffff  }
0xe7: {  	v9 =	vld.idx.msk [tilespmem:v13+s4+$0x0], $0xffff;
	[tilespmem:s8+$0x80] =	vst v8  }
0xe8: {  	v8 =	vmul.u32 $0x3, v16;
	v13 =	vld.idx.msk [tilespmem:v2+s4+$0x0], $0xffff  }
0xe9: {  	v2 =	vld.idx.msk [tilespmem:v11+s4+$0x0], $0xffff  }
0xea: {  	s20 =	simm.s32 $0x100;
	v14 =	vadd.s32 $0x1, v11;
	v12 =	vld.idx.msk [tilespmem:v15+s4+$0x0], $0xffff  }
0xeb: {  	s5 =	sand.u32 $0x7E00, s20;
	s23 =	simm.s32 $0x70;
	[tilespmem:s9+$0x80] =	vst v6;
	v6 =	vld.idx.msk [tilespmem:v7+s4+$0x0], $0xffff  }
0xec: {  	s11 =	sadd.s32 $0x3300, s5;
	s6 =	sand.u32 $0x70, s23;
	v17 =	vadd.s32 $0x1, v7;
	v15 =	vld.idx.msk [tilespmem:v10+s4+$0x0], $0xffff  }
0xed: {  	s7 =	simm.s32 $0x40;
	s20 =	sor.u32 s6, s11;
	v4 =	vadd.s32 $0x2, v4;
	[tilespmem:s21+$0x80] =	vst v9;
	v9 =	vld [tilespmem:s10+$0x110]  }
0xee: {  	s5 =	sand.u32 $0x40, s7;
	v3 =	vadd.s32 $0x2, v3;
	v16 =	vld.idx.msk [tilespmem:v8+s4+$0x0], $0xffff;
	[tilespmem:s20+$0x0] =	vst v2  }
0xef: {  	s7 =	sor.u32 s5, s11;
	v19 =	vadd.s32 $0x1, v10;
	v14 =	vld.idx.msk [tilespmem:v14+s4+$0x0], $0xffff  }
0xf0: {  	s12 =	simm.s32 $0x50;
	v5 =	vadd.s32 $0x2, v5;
	[tilespmem:s7+$0x0] =	vst v6;
	v6 =	vld [tilespmem:s10+$0x120]  }
0xf1: {  	s23 =	simm.s32 $0x60;
	s6 =	sand.u32 $0x50, s12;
	v21 =	vadd.s32 $0x1, v8;
	v17 =	vld.idx.msk [tilespmem:v17+s4+$0x0], $0xffff  }
0xf2: {  	s12 =	sand.u32 $0x60, s23;
	s5 =	sor.u32 s6, s11;
	[tilespmem:s2+$0x80] =	vst v12;
	v11 =	vadd.s32 $0x2, v11;
	v63 =	vld.idx.msk [tilespmem:v4+s4+$0x0], $0xffff;
	v2 =	vmul.u32 $0x3, v18  }
0xf3: {  	s6 =	sor.u32 s12, s11;
	v3 =	vld.idx.msk [tilespmem:v3+s4+$0x0], $0xffff;
	[tilespmem:s5+$0x0] =	vst v15  }
0xf4: {  	v7 =	vadd.s32 $0x2, v7;
	v18 =	vld.idx.msk [tilespmem:v19+s4+$0x0], $0xffff;
	[tilespmem:s6+$0x0] =	vst v16;
	v16 =	vmul.u32 $0x3, v20  }
0xf5: {  	v12 =	vld.idx.msk [tilespmem:v5+s4+$0x0], $0xffff;
	v20 =	vmul.u32 $0x3, v9;
	[tilespmem:s20+$0x80] =	vst v14  }
0xf6: {  	v19 =	vld.idx.msk [tilespmem:v21+s4+$0x0], $0xffff;
	[tilespmem:s7+$0x80] =	vst v17;
	v17 =	vmul.u32 $0x3, v6  }
0xf7: {  	[tilespmem:s8+$0x100] =	vst v13;
	v14 =	vld.idx.msk [tilespmem:v11+s4+$0x0], $0xffff  }
0xf8: {  	[tilespmem:s9+$0x100] =	vst v3;
	v15 =	vld.idx.msk [tilespmem:v2+s4+$0x0], $0xffff  }
0xf9: {  	v4 =	vadd.s32 $0x2, v8;
	v3 =	vadd.s32 $0x2, v10;
	[tilespmem:s5+$0x80] =	vst v18;
	v18 =	vadd.s32 $0x1, v2;
	v11 =	vld.idx.msk [tilespmem:v7+s4+$0x0], $0xffff  }
0xfa: {  	s30 =	simm.s32 $0xB0;
	s23 =	simm.s32 $0x200;
	s8 =	simm.s32 $0x8;
	[tilespmem:s21+$0x100] =	vst v63;
	v8 =	vadd.s32 $0x1, v16;
	v5 =	vadd.s32 $0x2, v16;
	v9 =	vadd.s32 $0x1, v20;
	v13 =	vld.idx.msk [tilespmem:v16+s4+$0x0], $0xffff  }
0xfb: {  	s10 =	sand.u32 $0x7E00, s23;
	s23 =	sand.u32 $0x70, s30;
	s9 =	simm.s32 $0x300;
	v6 =	vadd.s32 $0x2, v20;
	[tilespmem:s6+$0x80] =	vst v19;
	v10 =	vadd.s32 $0x1, v17;
	v7 =	vadd.s32 $0x2, v17;
	v16 =	vld.idx.msk [tilespmem:v20+s4+$0x0], $0xffff  }
.LBB2_6:
0xfc: {  	s11 =	sshra.s32 s9, $0x2;
	s8 =	sadd.s32 $0x4, s8;
	s10 =	sadd.s32 $0x3300, s10;
	v17 =	vld.idx.msk [tilespmem:v17+s4+$0x0], $0xffff;
	[tilespmem:s20+$0x100] =	vst v14  }
0xfd: {  	s12 =	sadd.s32 $0xFFFFFFD0, s30;
	v14 =	vld [tilespmem:s11+$0x130];
	p1 =	slt.u32 s8, $0x18C;
	s20 =	sor.u32 s23, s10;
	[tilespmem:s2+$0x100] =	vst v12  }
0xfe: {  	s21 =	sadd.s32 $0xFFFFFFF0, s30;
	s2 =	sand.u32 $0x40, s12;
	s12 =	sadd.s32 $0xFFFFFFE0, s30;
	v12 =	vld [tilespmem:s11+$0x100];
	[tilespmem:s20+$0x0] =	vst v15  }
0xff: {  	s23 =	sor.u32 s2, s10;
	s2 =	sand.u32 $0x50, s12;
	s12 =	sand.u32 $0x60, s21;
	v15 =	vld.idx.msk [tilespmem:v18+s4+$0x0], $0xffff  }
0x100: {  	s21 =	smov.u32 s5;
	s12 =	sor.u32 s12, s10;
	s5 =	sor.u32 s2, s10;
	v18 =	vld [tilespmem:s11+$0x110];
	[tilespmem:s23+$0x0] =	vst v13  }
0x101: {  	s2 =	smov.u32 s6;
	s6 =	smov.u32 s12;
	v13 =	vld [tilespmem:s11+$0x120];
	[tilespmem:s5+$0x0] =	vst v16;
	v16 =	vadd.s32 $0x2, v2  }
0x102: {  	v2 =	vmul.u32 $0x3, v14;
	v19 =	vld.idx.msk [tilespmem:v8+s4+$0x0], $0xffff;
	[tilespmem:s6+$0x0] =	vst v17  }
0x103: {  	v20 =	vmul.u32 $0x3, v12;
	v21 =	vld.idx.msk [tilespmem:v9+s4+$0x0], $0xffff;
	[tilespmem:s7+$0x100] =	vst v11;
	s7 =	smov.u32 s23  }
0x104: {  	v22 =	vld.idx.msk [tilespmem:v10+s4+$0x0], $0xffff  }
0x105: {  	v8 =	vadd.s32 $0x1, v20;
	v23 =	vadd.s32 $0x2, v20;
	v24 =	vmul.u32 $0x3, v18;
	[tilespmem:s20+$0x80] =	vst v15;
	v25 =	vld.idx.msk [tilespmem:v3+s4+$0x0], $0xffff;
	v3 =	vmovc v6  }
0x106: {  	v17 =	vmul.u32 $0x3, v13;
	v14 =	vld.idx.msk [tilespmem:v16+s4+$0x0], $0xffff  }
.Ltmp4:
0x107: {  	v9 =	vadd.s32 $0x1, v24;
	v6 =	vadd.s32 $0x2, v24;
	v12 =	vld.idx.msk [tilespmem:v4+s4+$0x0], $0xffff;
	v4 =	vmov v7;
	(pc) =	sbr.rel @p1 .LBB2_6-.Ltmp4, $4  }
0x108: {  	v10 =	vadd.s32 $0x1, v17;
	v7 =	vadd.s32 $0x2, v17;
	v15 =	vld.idx.msk [tilespmem:v2+s4+$0x0], $0xffff;
	[tilespmem:s7+$0x80] =	vst v19  }
0x109: {  	v13 =	vld.idx.msk [tilespmem:v20+s4+$0x0], $0xffff;
	[tilespmem:s5+$0x80] =	vst v21  }
0x10a: {  	s30 =	sadd.s32 $0x40, s30;
	v18 =	vadd.s32 $0x1, v2;
	v11 =	vld.idx.msk [tilespmem:v5+s4+$0x0], $0xffff;
	[tilespmem:s6+$0x80] =	vst v22;
	v5 =	vmov v23  }
0x10b: {  	s10 =	sand.u32 $0x7E00, s9;
	s9 =	sadd.s32 $0x100, s9;
	s23 =	sand.u32 $0x70, s30;
	v16 =	vld.idx.msk [tilespmem:v24+s4+$0x0], $0xffff;
	[tilespmem:s21+$0x100] =	vst v25  }
0x10c: {  	_ =	sdelay $0x3  }
0x10d: {  	s8 =	sadd.s32 $0x3300, s10;
	v17 =	vld.idx.msk [tilespmem:v17+s4+$0x0], $0xffff;
	s9 =	sadd.s32 $0xFFFFFFD0, s30  }
0x10e: {  	s11 =	sadd.s32 $0xFFFFFFE0, s30;
	[tilespmem:s20+$0x100] =	vst v14;
	s10 =	sor.u32 s23, s8;
	s9 =	sand.u32 $0x40, s9  }
0x10f: {  	s12 =	sadd.s32 $0xFFFFFFF0, s30;
	s11 =	sand.u32 $0x50, s11;
	[tilespmem:s10+$0x0] =	vst v15;
	s9 =	sor.u32 s9, s8  }
0x110: {  	s12 =	sand.u32 $0x60, s12;
	s11 =	sor.u32 s11, s8;
	v14 =	vld.idx.msk [tilespmem:v18+s4+$0x0], $0xffff;
	[tilespmem:s9+$0x0] =	vst v13  }
0x111: {  	v2 =	vadd.s32 $0x2, v2;
	s8 =	sor.u32 s12, s8;
	[tilespmem:s11+$0x0] =	vst v16;
	v8 =	vld.idx.msk [tilespmem:v8+s4+$0x0], $0xffff  }
0x112: {  	[tilespmem:s8+$0x0] =	vst v17;
	v9 =	vld.idx.msk [tilespmem:v9+s4+$0x0], $0xffff  }
0x113: {  	[tilespmem:s2+$0x100] =	vst v12;
	v10 =	vld.idx.msk [tilespmem:v10+s4+$0x0], $0xffff  }
0x114: {  	v3 =	vld.idx.msk [tilespmem:v3+s4+$0x0], $0xffff;
	[tilespmem:s7+$0x100] =	vst v11  }
0x115: {  	v4 =	vld.idx.msk [tilespmem:v4+s4+$0x0], $0xffff;
	[tilespmem:s10+$0x80] =	vst v14  }
0x116: {  	v2 =	vld.idx.msk [tilespmem:v2+s4+$0x0], $0xffff;
	[tilespmem:s9+$0x80] =	vst v8  }
0x117: {  	[tilespmem:s11+$0x80] =	vst v9;
	v5 =	vld.idx.msk [tilespmem:v5+s4+$0x0], $0xffff  }
0x118: {  	[tilespmem:s8+$0x80] =	vst v10;
	v6 =	vld.idx.msk [tilespmem:v6+s4+$0x0], $0xffff  }
0x119: {  	[tilespmem:s5+$0x100] =	vst v3;
	v3 =	vld.idx.msk [tilespmem:v7+s4+$0x0], $0xffff  }
0x11a: {  	[tilespmem:s6+$0x100] =	vst v4  }
0x11b: {  	[tilespmem:s10+$0x100] =	vst v2  }
0x11c: {  	[tilespmem:s9+$0x100] =	vst v5  }
0x11d: {  	[tilespmem:s11+$0x100] =	vst v6  }
0x11e: {  	[tilespmem:s8+$0x100] =	vst v3  }
0x11f: {  	s20 =	simm.s32 $0x0;
	s21 =	simm.s32 $0x3300;
	s5 =	rddreg [dreg:$0xd]  }
0x120: {  	[hbm4b:s5+s20] =	stream.linear.scatter [tilespmem:s21], [sflag:$0x3], $0x6400, $0x38;
	[tilespmem:$0x14580] =	vst v63  }
0x121: {  	_ =	swait.ge [sflag:s24], $0x1900  }
0x122: {  	[sflag:s24] =	ssyncset.done $0x0  }
0x123: {  	[sflag:s24] =	ssyncadd.s32 $0xFFFFE700  }
0x124: {  	_ =	swait.ge [sflag:s28], $0x6400  }
0x125: {  	[sflag:s28] =	ssyncset.done $0x0  }
0x126: {  	s23 =	simm.s32 $0x0;
	[sflag:s28] =	ssyncadd.s32 $0xFFFF9C00  }
0x127: {  	v2 =	vld [tilespmem:s23+$0x1A30];
	_ =	sdelay $0x2  }
0x128: {  	v3 =	vld [tilespmem:s23+$0x1A00]  }
0x129: {  	v4 =	vld [tilespmem:s23+$0x1A10]  }
0x12a: {  	v5 =	vld [tilespmem:s23+$0x1A20];
	v2 =	vmul.u32 $0x3, v2;
	_ =	sdelay $0x2  }
0x12b: {  	v3 =	vmul.u32 $0x3, v3  }
0x12c: {  	s7 =	simm.s32 $0x40;
	v4 =	vmul.u32 $0x3, v4  }
0x12d: {  	v11 =	vld [tilespmem:s7+$0x1A30];
	v5 =	vmul.u32 $0x3, v5  }
0x12e: {  	v6 =	vld.idx.msk [tilespmem:v2+s4+$0x0], $0xffff  }
0x12f: {  	v12 =	vld [tilespmem:s7+$0x1A00];
	v8 =	vadd.s32 $0x1, v2  }
0x130: {  	s2 =	sand.u32 $0x7E00, s20;
	s6 =	simm.s32 $0x30;
	v14 =	vld [tilespmem:s7+$0x1A10]  }
0x131: {  	s2 =	sadd.s32 $0x9700, s2;
	s5 =	sand.u32 $0x70, s6;
	v7 =	vld.idx.msk [tilespmem:v3+s4+$0x0], $0xffff  }
0x132: {  	s8 =	sor.u32 s5, s2;
	v9 =	vld.idx.msk [tilespmem:v4+s4+$0x0], $0xffff  }
0x133: {  	s10 =	simm.s32 $0x10;
	s9 =	simm.s32 $0x0;
	v10 =	vld.idx.msk [tilespmem:v5+s4+$0x0], $0xffff;
	[tilespmem:s8+$0x0] =	vst v6;
	v6 =	vadd.s32 $0x1, v3  }
0x134: {  	s12 =	sand.u32 $0x50, s10;
	s5 =	sand.u32 $0x40, s9;
	v13 =	vadd.s32 $0x1, v4;
	v8 =	vld.idx.msk [tilespmem:v8+s4+$0x0], $0xffff  }
0x135: {  	s10 =	simm.s32 $0x80;
	s11 =	simm.s32 $0x20;
	s9 =	sor.u32 s5, s2;
	v16 =	vld [tilespmem:s7+$0x1A20];
	v11 =	vmul.u32 $0x3, v11;
	v2 =	vadd.s32 $0x2, v2  }
0x136: {  	s6 =	sand.u32 $0x60, s11;
	s21 =	sor.u32 s12, s2;
	v18 =	vld [tilespmem:s10+$0x1A30];
	[tilespmem:s9+$0x0] =	vst v7  }
0x137: {  	s2 =	sor.u32 s6, s2;
	v20 =	vld [tilespmem:s10+$0x1A00];
	v15 =	vadd.s32 $0x1, v5;
	v7 =	vmul.u32 $0x3, v12;
	[tilespmem:s21+$0x0] =	vst v9  }
0x138: {  	[tilespmem:s2+$0x0] =	vst v10;
	v10 =	vmul.u32 $0x3, v14;
	v6 =	vld.idx.msk [tilespmem:v6+s4+$0x0], $0xffff  }
0x139: {  	v9 =	vld.idx.msk [tilespmem:v13+s4+$0x0], $0xffff;
	[tilespmem:s8+$0x80] =	vst v8  }
0x13a: {  	v8 =	vmul.u32 $0x3, v16;
	v13 =	vld.idx.msk [tilespmem:v2+s4+$0x0], $0xffff  }
0x13b: {  	v2 =	vld.idx.msk [tilespmem:v11+s4+$0x0], $0xffff  }
0x13c: {  	s20 =	simm.s32 $0x100;
	v14 =	vadd.s32 $0x1, v11;
	v12 =	vld.idx.msk [tilespmem:v15+s4+$0x0], $0xffff  }
0x13d: {  	s5 =	sand.u32 $0x7E00, s20;
	s23 =	simm.s32 $0x70;
	[tilespmem:s9+$0x80] =	vst v6;
	v6 =	vld.idx.msk [tilespmem:v7+s4+$0x0], $0xffff  }
0x13e: {  	s11 =	sadd.s32 $0x9700, s5;
	s6 =	sand.u32 $0x70, s23;
	v17 =	vadd.s32 $0x1, v7;
	v15 =	vld.idx.msk [tilespmem:v10+s4+$0x0], $0xffff  }
0x13f: {  	s7 =	simm.s32 $0x40;
	s20 =	sor.u32 s6, s11;
	v4 =	vadd.s32 $0x2, v4;
	[tilespmem:s21+$0x80] =	vst v9;
	v9 =	vld [tilespmem:s10+$0x1A10]  }
0x140: {  	s5 =	sand.u32 $0x40, s7;
	v3 =	vadd.s32 $0x2, v3;
	v16 =	vld.idx.msk [tilespmem:v8+s4+$0x0], $0xffff;
	[tilespmem:s20+$0x0] =	vst v2  }
0x141: {  	s7 =	sor.u32 s5, s11;
	v19 =	vadd.s32 $0x1, v10;
	v14 =	vld.idx.msk [tilespmem:v14+s4+$0x0], $0xffff  }
0x142: {  	s12 =	simm.s32 $0x50;
	v5 =	vadd.s32 $0x2, v5;
	[tilespmem:s7+$0x0] =	vst v6;
	v6 =	vld [tilespmem:s10+$0x1A20]  }
0x143: {  	s23 =	simm.s32 $0x60;
	s6 =	sand.u32 $0x50, s12;
	v21 =	vadd.s32 $0x1, v8;
	v17 =	vld.idx.msk [tilespmem:v17+s4+$0x0], $0xffff  }
0x144: {  	s12 =	sand.u32 $0x60, s23;
	s5 =	sor.u32 s6, s11;
	[tilespmem:s2+$0x80] =	vst v12;
	v11 =	vadd.s32 $0x2, v11;
	v63 =	vld.idx.msk [tilespmem:v4+s4+$0x0], $0xffff;
	v2 =	vmul.u32 $0x3, v18  }
0x145: {  	s6 =	sor.u32 s12, s11;
	v3 =	vld.idx.msk [tilespmem:v3+s4+$0x0], $0xffff;
	[tilespmem:s5+$0x0] =	vst v15  }
0x146: {  	v7 =	vadd.s32 $0x2, v7;
	v18 =	vld.idx.msk [tilespmem:v19+s4+$0x0], $0xffff;
	[tilespmem:s6+$0x0] =	vst v16;
	v16 =	vmul.u32 $0x3, v20  }
0x147: {  	v12 =	vld.idx.msk [tilespmem:v5+s4+$0x0], $0xffff;
	v20 =	vmul.u32 $0x3, v9;
	[tilespmem:s20+$0x80] =	vst v14  }
0x148: {  	v19 =	vld.idx.msk [tilespmem:v21+s4+$0x0], $0xffff;
	[tilespmem:s7+$0x80] =	vst v17;
	v17 =	vmul.u32 $0x3, v6  }
0x149: {  	[tilespmem:s8+$0x100] =	vst v13;
	v14 =	vld.idx.msk [tilespmem:v11+s4+$0x0], $0xffff  }
0x14a: {  	[tilespmem:s9+$0x100] =	vst v3;
	v15 =	vld.idx.msk [tilespmem:v2+s4+$0x0], $0xffff  }
0x14b: {  	v4 =	vadd.s32 $0x2, v8;
	v3 =	vadd.s32 $0x2, v10;
	[tilespmem:s5+$0x80] =	vst v18;
	v18 =	vadd.s32 $0x1, v2;
	v11 =	vld.idx.msk [tilespmem:v7+s4+$0x0], $0xffff  }
0x14c: {  	s30 =	simm.s32 $0xB0;
	s23 =	simm.s32 $0x200;
	s8 =	simm.s32 $0x8;
	[tilespmem:s21+$0x100] =	vst v63;
	v8 =	vadd.s32 $0x1, v16;
	v5 =	vadd.s32 $0x2, v16;
	v9 =	vadd.s32 $0x1, v20;
	v13 =	vld.idx.msk [tilespmem:v16+s4+$0x0], $0xffff  }
0x14d: {  	s10 =	sand.u32 $0x7E00, s23;
	s23 =	sand.u32 $0x70, s30;
	s9 =	simm.s32 $0x300;
	v6 =	vadd.s32 $0x2, v20;
	[tilespmem:s6+$0x80] =	vst v19;
	v10 =	vadd.s32 $0x1, v17;
	v7 =	vadd.s32 $0x2, v17;
	v16 =	vld.idx.msk [tilespmem:v20+s4+$0x0], $0xffff  }
.LBB2_8:
0x14e: {  	s11 =	sshra.s32 s9, $0x2;
	s8 =	sadd.s32 $0x4, s8;
	s10 =	sadd.s32 $0x9700, s10;
	v17 =	vld.idx.msk [tilespmem:v17+s4+$0x0], $0xffff;
	[tilespmem:s20+$0x100] =	vst v14  }
0x14f: {  	s12 =	sadd.s32 $0xFFFFFFD0, s30;
	v14 =	vld [tilespmem:s11+$0x1A30];
	p1 =	slt.u32 s8, $0x18C;
	s20 =	sor.u32 s23, s10;
	[tilespmem:s2+$0x100] =	vst v12  }
0x150: {  	s21 =	sadd.s32 $0xFFFFFFF0, s30;
	s2 =	sand.u32 $0x40, s12;
	s12 =	sadd.s32 $0xFFFFFFE0, s30;
	v12 =	vld [tilespmem:s11+$0x1A00];
	[tilespmem:s20+$0x0] =	vst v15  }
0x151: {  	s23 =	sor.u32 s2, s10;
	s2 =	sand.u32 $0x50, s12;
	s12 =	sand.u32 $0x60, s21;
	v15 =	vld.idx.msk [tilespmem:v18+s4+$0x0], $0xffff  }
0x152: {  	s21 =	smov.u32 s5;
	s12 =	sor.u32 s12, s10;
	s5 =	sor.u32 s2, s10;
	v18 =	vld [tilespmem:s11+$0x1A10];
	[tilespmem:s23+$0x0] =	vst v13  }
0x153: {  	s2 =	smov.u32 s6;
	s6 =	smov.u32 s12;
	v13 =	vld [tilespmem:s11+$0x1A20];
	[tilespmem:s5+$0x0] =	vst v16;
	v16 =	vadd.s32 $0x2, v2  }
0x154: {  	v2 =	vmul.u32 $0x3, v14;
	v19 =	vld.idx.msk [tilespmem:v8+s4+$0x0], $0xffff;
	[tilespmem:s6+$0x0] =	vst v17  }
0x155: {  	v20 =	vmul.u32 $0x3, v12;
	v21 =	vld.idx.msk [tilespmem:v9+s4+$0x0], $0xffff;
	[tilespmem:s7+$0x100] =	vst v11;
	s7 =	smov.u32 s23  }
0x156: {  	v22 =	vld.idx.msk [tilespmem:v10+s4+$0x0], $0xffff  }
0x157: {  	v8 =	vadd.s32 $0x1, v20;
	v23 =	vadd.s32 $0x2, v20;
	v24 =	vmul.u32 $0x3, v18;
	[tilespmem:s20+$0x80] =	vst v15;
	v25 =	vld.idx.msk [tilespmem:v3+s4+$0x0], $0xffff;
	v3 =	vmovc v6  }
0x158: {  	v17 =	vmul.u32 $0x3, v13;
	v14 =	vld.idx.msk [tilespmem:v16+s4+$0x0], $0xffff  }
.Ltmp5:
0x159: {  	v9 =	vadd.s32 $0x1, v24;
	v6 =	vadd.s32 $0x2, v24;
	v12 =	vld.idx.msk [tilespmem:v4+s4+$0x0], $0xffff;
	v4 =	vmov v7;
	(pc) =	sbr.rel @p1 .LBB2_8-.Ltmp5, $4  }
0x15a: {  	v10 =	vadd.s32 $0x1, v17;
	v7 =	vadd.s32 $0x2, v17;
	v15 =	vld.idx.msk [tilespmem:v2+s4+$0x0], $0xffff;
	[tilespmem:s7+$0x80] =	vst v19  }
0x15b: {  	v13 =	vld.idx.msk [tilespmem:v20+s4+$0x0], $0xffff;
	[tilespmem:s5+$0x80] =	vst v21  }
0x15c: {  	s30 =	sadd.s32 $0x40, s30;
	v18 =	vadd.s32 $0x1, v2;
	v11 =	vld.idx.msk [tilespmem:v5+s4+$0x0], $0xffff;
	[tilespmem:s6+$0x80] =	vst v22;
	v5 =	vmov v23  }
0x15d: {  	s10 =	sand.u32 $0x7E00, s9;
	s9 =	sadd.s32 $0x100, s9;
	s23 =	sand.u32 $0x70, s30;
	v16 =	vld.idx.msk [tilespmem:v24+s4+$0x0], $0xffff;
	[tilespmem:s21+$0x100] =	vst v25  }
0x15e: {  	_ =	sdelay $0x3  }
0x15f: {  	s8 =	sadd.s32 $0x9700, s10;
	v17 =	vld.idx.msk [tilespmem:v17+s4+$0x0], $0xffff;
	s9 =	sadd.s32 $0xFFFFFFD0, s30  }
0x160: {  	s11 =	sadd.s32 $0xFFFFFFE0, s30;
	[tilespmem:s20+$0x100] =	vst v14;
	s10 =	sor.u32 s23, s8;
	s9 =	sand.u32 $0x40, s9  }
0x161: {  	s12 =	sadd.s32 $0xFFFFFFF0, s30;
	s11 =	sand.u32 $0x50, s11;
	[tilespmem:s10+$0x0] =	vst v15;
	s9 =	sor.u32 s9, s8  }
0x162: {  	s12 =	sand.u32 $0x60, s12;
	s11 =	sor.u32 s11, s8;
	v63 =	vld.idx.msk [tilespmem:v18+s4+$0x0], $0xffff;
	[tilespmem:s9+$0x0] =	vst v13  }
0x163: {  	v2 =	vadd.s32 $0x2, v2;
	s8 =	sor.u32 s12, s8;
	[tilespmem:s11+$0x0] =	vst v16;
	v8 =	vld.idx.msk [tilespmem:v8+s4+$0x0], $0xffff  }
0x164: {  	[tilespmem:s8+$0x0] =	vst v17;
	v9 =	vld.idx.msk [tilespmem:v9+s4+$0x0], $0xffff  }
0x165: {  	[tilespmem:s2+$0x100] =	vst v12;
	v10 =	vld.idx.msk [tilespmem:v10+s4+$0x0], $0xffff  }
0x166: {  	v3 =	vld.idx.msk [tilespmem:v3+s4+$0x0], $0xffff;
	[tilespmem:s7+$0x100] =	vst v11  }
0x167: {  	v4 =	vld.idx.msk [tilespmem:v4+s4+$0x0], $0xffff;
	[tilespmem:s10+$0x80] =	vst v63  }
0x168: {  	v2 =	vld.idx.msk [tilespmem:v2+s4+$0x0], $0xffff;
	[tilespmem:s9+$0x80] =	vst v8  }
0x169: {  	[tilespmem:s11+$0x80] =	vst v9;
	v5 =	vld.idx.msk [tilespmem:v5+s4+$0x0], $0xffff  }
0x16a: {  	[tilespmem:s8+$0x80] =	vst v10;
	v6 =	vld.idx.msk [tilespmem:v6+s4+$0x0], $0xffff  }
0x16b: {  	[tilespmem:s5+$0x100] =	vst v3;
	v3 =	vld.idx.msk [tilespmem:v7+s4+$0x0], $0xffff  }
0x16c: {  	[tilespmem:s6+$0x100] =	vst v4  }
0x16d: {  	[tilespmem:s10+$0x100] =	vst v2  }
0x16e: {  	[tilespmem:s9+$0x100] =	vst v5  }
0x16f: {  	[tilespmem:s11+$0x100] =	vst v6  }
0x170: {  	s2 =	simm.s32 $0x0;
	s21 =	simm.s32 $0x9700;
	[tilespmem:s8+$0x100] =	vst v3  }
0x171: {  	[hbm4b:s13+s2] =	stream.linear.scatter [tilespmem:s21], [sflag:$0x4], $0x6400, $0x38;
	[tilespmem:$0x14580] =	vst v63  }
0x172: {  	_ =	swait.ge [sflag:s26], $0x6400  }
0x173: {  	[sflag:s26] =	ssyncset.done $0x0  }
0x174: {  	[sflag:s26] =	ssyncadd.s32 $0xFFFF9C00  }
0x175: {  	_ =	swait.ge [sflag:s28], $0x6400  }
0x176: {  	[sflag:s28] =	ssyncset.done $0x0  }
0x177: {  	[sflag:s28] =	ssyncadd.s32 $0xFFFF9C00  }
0x178: {  	[tilespmem:s29], [sflag:$0x5] =	stream.linear.gather [hbm4b:s14+s2], $0x200, $0x38;
	[tilespmem:$0x14580] =	vst v63  }
0x179: {  	_ =	swait.ge [sflag:s18], $0x200  }
0x17a: {  	[sflag:s18] =	ssyncset.done $0x0  }
.Ltmp6:
0x17b: {  	s23 =	simm.s32 $0xFD00;
	[sflag:s18] =	ssyncadd.s32 $0xFFFFFE00;
	(pc) =	sbr.rel .LBB2_10-.Ltmp6, $4  }
0x17c: {  	[tilespmem:s23], [sflag:$0x5] =	stream.linear.gather [hbm4b:s15+s2], $0x8, $0x38;
	[tilespmem:$0x14580] =	vst v63  }
0x17d: {  	_ =	swait.ge [sflag:s18], $0x8  }
0x17e: {  	[sflag:s18] =	ssyncset.done $0x0  }
0x17f: {  	s30 =	simm.s32 $0xC0000000;
	[sflag:s18] =	ssyncadd.s32 $0xFFFFFFF8  }
.LBB2_19:
0x180: {  	v3 =	vimm.f32 $0.0e+00;
	v4 =	vimm.f32 $0.0e+00  }
.LBB2_26:
0x181: {  	s7 =	ssub.s32 s20, s7;
	(xrf2) =	vadd.scan.msk.f32 $0xffff, v2  }
0x182: {  	v2 =	vmov s7;
	(xrf2) =	vadd.scan.msk.f32 $0xffff, v3  }
0x183: {  	v2 =	vcvt.s32.f32 v2;
	(xrf2) =	vadd.scan.msk.f32 $0xffff, v4;
	_ =	sdelay $0x1  }
0x184: {  	v2 =	vmax.f32 v2, $1.000000000e+00  }
0x185: {  	v2 =	vbroadcast v2, $0x0;
	_ =	sdelay $0x1  }
0x186: {  	(erf) = vrcp.f32 v2;
	_ =	sdelay $0x2  }
0x187: {  	v2, _, _ =	vpop (xrf2)  }
0x188: {  	v3, _, _ =	vpop (xrf2)  }
0x189: {  	s6 =	sand.u32 $0x7F, s6;
	v4, _, _ =	vpop (xrf2)  }
0x18a: {  	s5 =	sor.u32 s6, s5;
	v3 =	vbroadcast v3, $0xF;
	v4 =	vbroadcast v4, $0xF  }
0x18b: {  	p1 =	slt.u32 s2, $0x1FE;
	v5 =	vadd.s32 s5, v1;
	v2 =	vbroadcast v2, $0xF  }
.Ltmp7:
0x18c: {  	v3 =	vsel vm0, v4, v3;
	(pc) =	sbr.rel @!p1 .LBB2_27-.Ltmp7, $4  }
0x18d: {  	v63 =	vpop (erf);
	v2 =	vsel vm1, v3, v2  }
0x18e: {  	v2 =	vmul.f32 v2, v63  }
0x18f: {  	s23 =	sadd.s32 $0x2, s2  }
0x190: {  	s2 =	smov.u32 s23;
	[tilespmem:v5+s0+$0x0] =	vst.idx.msk $0x7, v2  }
.LBB2_10:
0x191: {  	v2 =	vadd.s32 s2, v0;
	_ =	sdelay $0x4  }
0x192: {  	v3 =	vld.idx.msk [tilespmem:v2+s29+$0x0], $0xffff;
	_ =	sdelay $0x4  }
0x193: {  	(v2sf) =	vpush v3, $0x0  }
0x194: {  	(v2sf) =	vpush v3, $0x1;
	_ =	sdelay $0xd  }
0x195: {  	s5 =	spop (v2sf)  }
0x196: {  	s6 =	spop (v2sf)  }
0x197: {  	p1 =	sle.s32 s6, s5  }
.Ltmp8:
0x198: {  	_ = 	snop;
	(pc) =	sbr.rel @p1 .LBB2_11-.Ltmp8, $2  }
0x199: {  	_ =	sdelay $0x2  }
0x19a: {  	v2 =	vimm.f32 $0.0e+00  }
0x19b: {  	s7 =	sand.u32 $0x7, s5  }
0x19c: {  	s21 =	sshra.s32 s5, $0x1F;
	p2 =	slt.s32 s5, $0x1;
	p1 =	sne.s32 s7, $0x0  }
0x19d: {  	s7 =	sshrl.u32 s21, $0x1D;
	p2 =	por !p2, !p1  }
0x19e: {  	s8 =	simm.s32 $0x1;
	s7 =	sadd.s32 s7, s5;
	p2 =	por !p2, !p2  }
0x19f: {  	s7 =	sshrl.u32 s7, $0x3;
	s8 =	simm.s32 @!p2 $0x0  }
0x1a0: {  	s9 =	sadd.s32 $0x4000, s30;
	s7 =	ssub.s32 s7, s8;
	s8 =	sadd.s32 $0x10, s5  }
0x1a1: {  	s7 =	sshll.u32 s7, $0x3;
	p2 =	sle.s32 s8, s9  }
0x1a2: {  	s23 =	sadd.s32 $0xFFFFFFFF, s6;
	p3 =	slt.s32 s7, $0xC4000;
	s11 =	simm.s32 @!p2 $0x0  }
0x1a3: {  	s12 =	simm.s32 @!p2 $0xFD80;
	s7 =	simm.s32 @!p3 $0xC4000;
	p3 =	sgt.s32 s8, s9  }
0x1a4: {  	s10 =	sshrl.u32 @!p2 s7, $0x3;
	s30 =	smov.u32 @p3 s7;
	p3 =	slt.s32 s8, s6  }
.Ltmp9:
0x1a5: {  	s9 =	simm.s32 @!p2 $0x5;
	s10 =	sadd.s32 @!p2 s1, s10;
	(pc) =	sbr.rel @!p3 .LBB2_13-.Ltmp9, $4  }
0x1a6: {  	v6 =	vadd.s32 s5, v0;
	v5 =	vmov s23;
	[tilespmem:s12], [sflag:$0x5] =	stream.linear.gather @!p2 [hbm4b:s10+s11], $0x4000, $0x38;
	[tilespmem:$0x14580] =	vst v63  }
0x1a7: {  	vm2 =	vlt.s32 v6, v5;
	_ =	swait.ge @!p2 [sflag:s9], $0x4000  }
0x1a8: {  	v7 =	vsel vm2, v6, v5;
	v8 =	vmov s30;
	[sflag:s9] =	ssyncset.done @!p2 $0x0  }
0x1a9: {  	v4 =	vbroadcast v3, $0x1;
	v3 =	vimm.f32 $0.0e+00;
	v12 =	vsub.s32 v7, v8;
	[sflag:s9] =	ssyncadd.s32 @!p2 $0xFFFFC000;
	p2 =	por $0x0, $0x0  }
0x1aa: {  	_ =	sdelay $0x3  }
0x1ab: {  	v7 =	vld.idx.msk [tilespmem:v12+s31+$0x0], $0xffff;
	_ =	sdelay $0x4  }
0x1ac: {  	s7 =	sshra.s32 s8, $0x1F;
	p2 =	slt.s32 s8, $0x1;
	v7 =	vmul.u32 $0x3, v7  }
0x1ad: {  	s7 =	sshrl.u32 s7, $0x1D;
	p2 =	por !p2, !p1;
	vm2 =	vlt.s32 v6, v4  }
0x1ae: {  	s9 =	simm.s32 $0x1;
	s7 =	sadd.s32 s7, s8;
	p2 =	por !p2, !p2;
	v6 =	vnsel vm2, $0x1E, v7  }
0x1af: {  	s7 =	sshrl.u32 s7, $0x3;
	s9 =	simm.s32 @!p2 $0x0;
	v7 =	vadd.s32 $0x1, v6  }
0x1b0: {  	s7 =	ssub.s32 s7, s9;
	v8 =	vadd.s32 $0x2, v6  }
0x1b1: {  	s9 =	sshll.u32 s7, $0x3  }
0x1b2: {  	s10 =	sadd.s32 $0x4000, s30;
	s7 =	sadd.s32 $0x10, s8;
	p3 =	slt.s32 s9, $0xC4000  }
0x1b3: {  	p2 =	sle.s32 s7, s10;
	s9 =	simm.s32 @!p3 $0xC4000;
	p3 =	sgt.s32 s7, s10;
	v9 =	vld.idx.msk [tilespmem:v6+s19+$0x0], $0xffff;
	v6 =	vadd.s32 s8, v0  }
0x1b4: {  	s10 =	sshrl.u32 @!p2 s9, $0x3;
	s30 =	smov.u32 @p3 s9;
	v10 =	vld.idx.msk [tilespmem:v7+s19+$0x0], $0xffff;
	vm2 =	vlt.s32 v6, v5  }
0x1b5: {  	s11 =	simm.s32 @!p2 $0x5;
	p3 =	slt.s32 s7, s6;
	s9 =	sadd.s32 @!p2 s1, s10;
	v11 =	vld.idx.msk [tilespmem:v8+s19+$0x0], $0xffff;
	v8 =	vmov s30;
	v7 =	vsel vm2, v6, v5  }
.Ltmp10:
0x1b6: {  	s10 =	simm.s32 @!p2 $0xFD80;
	s8 =	simm.s32 @!p2 $0x0;
	v12 =	vsub.s32 v7, v8;
	(pc) =	sbr.rel @!p3 .LBB2_15-.Ltmp10, $4  }
0x1b7: {  	[tilespmem:s10], [sflag:$0x5] =	stream.linear.gather @!p2 [hbm4b:s9+s8], $0x4000, $0x38;
	[tilespmem:$0x14580] =	vst v63  }
0x1b8: {  	_ =	swait.ge @!p2 [sflag:s11], $0x4000  }
0x1b9: {  	[sflag:s11] =	ssyncset.done @!p2 $0x0  }
0x1ba: {  	v8 =	vimm.f32 $0.0e+00;
	[sflag:s11] =	ssyncadd.s32 @!p2 $0xFFFFC000;
	p2 =	por $0x1, $0x1;
	v7 =	vadd.f32 v9, v3;
	v9 =	vimm.f32 $0.0e+00  }
.LBB2_16:
0x1bb: {  	v12 =	vld.idx.msk [tilespmem:v12+s31+$0x0], $0xffff;
	v8 =	vadd.f32 v10, v8;
	s8 =	smov.u32 s7;
	s7 =	sadd.s32 $0x10, s7  }
0x1bc: {  	v9 =	vadd.f32 v11, v9;
	p3 =	slt.s32 s7, s6;
	_ =	sdelay $0x3  }
0x1bd: {  	s9 =	sshra.s32 s8, $0x1F;
	p4 =	slt.s32 s8, $0x1  }
0x1be: {  	s9 =	sshrl.u32 s9, $0x1D;
	p4 =	por !p4, !p1;
	v10 =	vmul.u32 $0x3, v12  }
0x1bf: {  	vm2 =	vlt.s32 v6, v4;
	s10 =	simm.s32 $0x1;
	s9 =	sadd.s32 s9, s8;
	p4 =	por !p4, !p4  }
0x1c0: {  	s9 =	sshrl.u32 s9, $0x3;
	s10 =	simm.s32 @!p4 $0x0;
	v10 =	vnsel vm2, $0x1E, v10  }
0x1c1: {  	s9 =	ssub.s32 s9, s10;
	v11 =	vadd.s32 $0x1, v10;
	v13 =	vadd.s32 $0x2, v10  }
0x1c2: {  	s9 =	sshll.u32 s9, $0x3  }
0x1c3: {  	s10 =	sadd.s32 $0x4000, s30;
	p5 =	slt.s32 s9, $0xC4000  }
0x1c4: {  	v6 =	vadd.s32 s8, v0;
	p4 =	sle.s32 s7, s10;
	p6 =	sgt.s32 s7, s10;
	s9 =	simm.s32 @!p5 $0xC4000  }
0x1c5: {  	vm2 =	vlt.s32 v6, v5;
	s30 =	smov.u32 @p6 s9;
	s8 =	sshrl.u32 @!p4 s9, $0x3;
	v14 =	vld.idx.msk [tilespmem:v10+s19+$0x0], $0xffff  }
0x1c6: {  	s10 =	simm.s32 @!p4 $0xFD80;
	v12 =	vsel vm2, v6, v5;
	s8 =	sadd.s32 @!p4 s1, s8;
	v15 =	vmov s30;
	v10 =	vld.idx.msk [tilespmem:v11+s19+$0x0], $0xffff  }
.Ltmp11:
0x1c7: {  	s11 =	simm.s32 @!p4 $0x5;
	s9 =	simm.s32 @!p4 $0x0;
	v12 =	vsub.s32 v12, v15;
	v11 =	vld.idx.msk [tilespmem:v13+s19+$0x0], $0xffff;
	(pc) =	sbr.rel @p3 .LBB2_16-.Ltmp11, $4  }
0x1c8: {  	[tilespmem:s10], [sflag:$0x5] =	stream.linear.gather @!p4 [hbm4b:s8+s9], $0x4000, $0x38;
	[tilespmem:$0x14580] =	vst v63  }
0x1c9: {  	_ =	swait.ge @!p4 [sflag:s11], $0x4000  }
0x1ca: {  	[sflag:s11] =	ssyncset.done @!p4 $0x0  }
0x1cb: {  	v7 =	vadd.f32 v14, v7;
	[sflag:s11] =	ssyncadd.s32 @!p4 $0xFFFFC000  }
.LBB2_17:
0x1cc: {  	_ =	sdelay $0x3  }
0x1cd: {  	v5 =	vld.idx.msk [tilespmem:v12+s31+$0x0], $0xffff;
	_ =	sdelay $0x4  }
0x1ce: {  	v5 =	vmul.u32 $0x3, v5  }
0x1cf: {  	vm2 =	vlt.s32 v6, v4  }
0x1d0: {  	v4 =	vnsel vm2, $0x1E, v5  }
0x1d1: {  	v5 =	vadd.s32 $0x1, v4  }
0x1d2: {  	v6 =	vadd.s32 $0x2, v4;
	_ =	sdelay $0x2  }
0x1d3: {  	v4 =	vld.idx.msk [tilespmem:v4+s19+$0x0], $0xffff  }
0x1d4: {  	v5 =	vld.idx.msk [tilespmem:v5+s19+$0x0], $0xffff  }
0x1d5: {  	v6 =	vld.idx.msk [tilespmem:v6+s19+$0x0], $0xffff  }
.Ltmp12:
0x1d6: {  	_ = 	snop;
	(pc) =	sbr.rel .LBB2_18-.Ltmp12, $3  }
0x1d7: {  	v8 =	vadd.f32 @p2 v10, v8;
	v9 =	vadd.f32 @p2 v11, v9;
	_ =	sdelay $0x1  }
0x1d8: {  	v63 =	vpsel p2, v9, v3;
	v4 =	vadd.f32 v4, v7;
	v7 =	vpsel p2, v8, v3  }
0x1d9: {  	v3 =	vadd.f32 v5, v7;
	v5 =	vadd.f32 v6, v63  }
.LBB2_11:
0x1da: {  	v4 =	vimm.f32 $0.0e+00;
	v3 =	vimm.f32 $0.0e+00;
	v5 =	vimm.f32 $0.0e+00  }
.LBB2_18:
0x1db: {  	s5 =	ssub.s32 s6, s5;
	(xrf2) =	vadd.scan.msk.f32 $0xffff, v4  }
0x1dc: {  	v60 =	vmov s5;
	(xrf2) =	vadd.scan.msk.f32 $0xffff, v3  }
0x1dd: {  	v3 =	vcvt.s32.f32 v60;
	(xrf2) =	vadd.scan.msk.f32 $0xffff, v5;
	_ =	sdelay $0x1  }
0x1de: {  	v3 =	vmax.f32 v3, $1.000000000e+00  }
0x1df: {  	v3 =	vbroadcast v3, $0x0;
	_ =	sdelay $0x1  }
0x1e0: {  	(erf) = vrcp.f32 v3  }
0x1e1: {  	s21 =	sshll.u32 s2, $0x2  }
0x1e2: {  	s23 =	sand.u32 $0x7E, s2;
	s5 =	sand.u32 $0x600, s21  }
0x1e3: {  	s6 =	sor.u32 s23, s5;
	v3, _, _ =	vpop (xrf2)  }
0x1e4: {  	v7 =	vadd.s32 s6, v1;
	v61, _, _ =	vpop (xrf2)  }
0x1e5: {  	v6 =	vmov s6;
	v7 =	vand.u32 $0xF80, v7;
	v5, _, _ =	vpop (xrf2)  }
0x1e6: {  	v6 =	vand.u32 $0x7E, v6;
	v4 =	vbroadcast v61, $0xF;
	v5 =	vbroadcast v5, $0xF  }
0x1e7: {  	s6 =	sor.u32 $0x1, s2;
	v6 =	vor.u32 v6, v7;
	v3 =	vbroadcast v3, $0xF  }
0x1e8: {  	v62 =	vadd.s32 s6, v0;
	v4 =	vsel vm0, v5, v4  }
0x1e9: {  	v3 =	vsel vm1, v4, v3;
	v63 =	vpop (erf)  }
0x1ea: {  	v3 =	vmul.f32 v3, v63;
	_ =	sdelay $0x1  }
0x1eb: {  	[tilespmem:v6+s0+$0x0] =	vst.idx.msk $0x7, v3  }
0x1ec: {  	v3 =	vld.idx.msk [tilespmem:v62+s29+$0x0], $0xffff;
	_ =	sdelay $0x4  }
0x1ed: {  	(v2sf) =	vpush v3, $0x0  }
0x1ee: {  	(v2sf) =	vpush v3, $0x1;
	_ =	sdelay $0xd  }
0x1ef: {  	s7 =	spop (v2sf)  }
0x1f0: {  	s20 =	spop (v2sf)  }
0x1f1: {  	p1 =	seq.s32 s2, $0x1FE;
	s8 =	smov.u32 s20  }
0x1f2: {  	s8 =	simm.s32 @p1 $0xC8000  }
0x1f3: {  	s20 =	smov.u32 @p0 s8  }
0x1f4: {  	p1 =	sle.s32 s20, s7  }
.Ltmp13:
0x1f5: {  	_ = 	snop;
	(pc) =	sbr.rel @p1 .LBB2_19-.Ltmp13, $1  }
0x1f6: {  	_ =	sdelay $0x3  }
0x1f7: {  	s8 =	sand.u32 $0x7, s7  }
0x1f8: {  	s21 =	sshra.s32 s7, $0x1F;
	p2 =	slt.s32 s7, $0x1;
	p1 =	sne.s32 s8, $0x0  }
0x1f9: {  	s8 =	sshrl.u32 s21, $0x1D;
	p2 =	por !p2, !p1  }
0x1fa: {  	s9 =	simm.s32 $0x1;
	s8 =	sadd.s32 s8, s7;
	p2 =	por !p2, !p2  }
0x1fb: {  	s8 =	sshrl.u32 s8, $0x3;
	s9 =	simm.s32 @!p2 $0x0  }
0x1fc: {  	s10 =	sadd.s32 $0x4000, s30;
	s8 =	ssub.s32 s8, s9;
	s9 =	sadd.s32 $0x10, s7  }
0x1fd: {  	s8 =	sshll.u32 s8, $0x3;
	p2 =	sle.s32 s9, s10  }
0x1fe: {  	s23 =	sadd.s32 $0xFFFFFFFF, s20;
	p3 =	slt.s32 s8, $0xC4000;
	s12 =	simm.s32 @!p2 $0x0  }
0x1ff: {  	s21 =	simm.s32 @!p2 $0xFD80;
	s8 =	simm.s32 @!p3 $0xC4000;
	p3 =	sgt.s32 s9, s10  }
0x200: {  	s11 =	sshrl.u32 @!p2 s8, $0x3;
	s30 =	smov.u32 @p3 s8;
	p3 =	slt.s32 s9, s20  }
.Ltmp14:
0x201: {  	s10 =	simm.s32 @!p2 $0x5;
	s11 =	sadd.s32 @!p2 s1, s11;
	(pc) =	sbr.rel @!p3 .LBB2_21-.Ltmp14, $4  }
0x202: {  	v5 =	vadd.s32 s7, v0;
	v4 =	vmov s23;
	[tilespmem:s21], [sflag:$0x5] =	stream.linear.gather @!p2 [hbm4b:s11+s12], $0x4000, $0x38;
	[tilespmem:$0x14580] =	vst v63  }
0x203: {  	vm2 =	vlt.s32 v5, v4;
	_ =	swait.ge @!p2 [sflag:s10], $0x4000  }
0x204: {  	v6 =	vsel vm2, v5, v4;
	v7 =	vmov s30;
	[sflag:s10] =	ssyncset.done @!p2 $0x0  }
0x205: {  	v2 =	vmov s20;
	v3 =	vimm.f32 $0.0e+00;
	v11 =	vsub.s32 v6, v7;
	[sflag:s10] =	ssyncadd.s32 @!p2 $0xFFFFC000;
	p2 =	por $0x0, $0x0  }
0x206: {  	_ =	sdelay $0x3  }
0x207: {  	v6 =	vld.idx.msk [tilespmem:v11+s31+$0x0], $0xffff;
	_ =	sdelay $0x4  }
0x208: {  	s8 =	sshra.s32 s9, $0x1F;
	p2 =	slt.s32 s9, $0x1;
	v6 =	vmul.u32 $0x3, v6  }
0x209: {  	vm2 =	vlt.s32 v5, v2;
	s8 =	sshrl.u32 s8, $0x1D;
	p2 =	por !p2, !p1  }
0x20a: {  	s10 =	simm.s32 $0x1;
	s8 =	sadd.s32 s8, s9;
	p2 =	por !p2, !p2;
	v5 =	vnsel vm2, $0x1E, v6  }
0x20b: {  	s8 =	sshrl.u32 s8, $0x3;
	s10 =	simm.s32 @!p2 $0x0;
	v6 =	vadd.s32 $0x1, v5  }
0x20c: {  	s8 =	ssub.s32 s8, s10;
	v7 =	vadd.s32 $0x2, v5  }
0x20d: {  	s10 =	sshll.u32 s8, $0x3  }
0x20e: {  	s11 =	sadd.s32 $0x4000, s30;
	s8 =	sadd.s32 $0x10, s9;
	p3 =	slt.s32 s10, $0xC4000  }
0x20f: {  	p2 =	sle.s32 s8, s11;
	s10 =	simm.s32 @!p3 $0xC4000;
	p3 =	sgt.s32 s8, s11;
	v8 =	vld.idx.msk [tilespmem:v5+s19+$0x0], $0xffff;
	v5 =	vadd.s32 s9, v0  }
0x210: {  	s11 =	sshrl.u32 @!p2 s10, $0x3;
	s30 =	smov.u32 @p3 s10;
	v9 =	vld.idx.msk [tilespmem:v6+s19+$0x0], $0xffff;
	vm2 =	vlt.s32 v5, v4  }
0x211: {  	s12 =	simm.s32 @!p2 $0x5;
	p3 =	slt.s32 s8, s20;
	s10 =	sadd.s32 @!p2 s1, s11;
	v10 =	vld.idx.msk [tilespmem:v7+s19+$0x0], $0xffff;
	v7 =	vmov s30;
	v6 =	vsel vm2, v5, v4  }
.Ltmp15:
0x212: {  	s11 =	simm.s32 @!p2 $0xFD80;
	s9 =	simm.s32 @!p2 $0x0;
	v11 =	vsub.s32 v6, v7;
	(pc) =	sbr.rel @!p3 .LBB2_23-.Ltmp15, $4  }
0x213: {  	[tilespmem:s11], [sflag:$0x5] =	stream.linear.gather @!p2 [hbm4b:s10+s9], $0x4000, $0x38;
	[tilespmem:$0x14580] =	vst v63  }
0x214: {  	_ =	swait.ge @!p2 [sflag:s12], $0x4000  }
0x215: {  	[sflag:s12] =	ssyncset.done @!p2 $0x0  }
0x216: {  	v7 =	vimm.f32 $0.0e+00;
	[sflag:s12] =	ssyncadd.s32 @!p2 $0xFFFFC000;
	p2 =	por $0x1, $0x1;
	v6 =	vadd.f32 v8, v3;
	v8 =	vimm.f32 $0.0e+00  }
.LBB2_24:
0x217: {  	v11 =	vld.idx.msk [tilespmem:v11+s31+$0x0], $0xffff;
	v7 =	vadd.f32 v9, v7;
	s9 =	smov.u32 s8;
	s8 =	sadd.s32 $0x10, s8  }
0x218: {  	v8 =	vadd.f32 v10, v8;
	p3 =	slt.s32 s8, s20;
	_ =	sdelay $0x3  }
0x219: {  	s10 =	sshra.s32 s9, $0x1F;
	p4 =	slt.s32 s9, $0x1  }
0x21a: {  	s10 =	sshrl.u32 s10, $0x1D;
	p4 =	por !p4, !p1;
	v9 =	vmul.u32 $0x3, v11  }
0x21b: {  	vm2 =	vlt.s32 v5, v2;
	s11 =	simm.s32 $0x1;
	s10 =	sadd.s32 s10, s9;
	p4 =	por !p4, !p4  }
0x21c: {  	s10 =	sshrl.u32 s10, $0x3;
	s11 =	simm.s32 @!p4 $0x0;
	v9 =	vnsel vm2, $0x1E, v9  }
0x21d: {  	s10 =	ssub.s32 s10, s11;
	v10 =	vadd.s32 $0x1, v9;
	v12 =	vadd.s32 $0x2, v9  }
0x21e: {  	s10 =	sshll.u32 s10, $0x3  }
0x21f: {  	s11 =	sadd.s32 $0x4000, s30;
	p5 =	slt.s32 s10, $0xC4000  }
0x220: {  	v5 =	vadd.s32 s9, v0;
	p4 =	sle.s32 s8, s11;
	p6 =	sgt.s32 s8, s11;
	s10 =	simm.s32 @!p5 $0xC4000  }
0x221: {  	vm2 =	vlt.s32 v5, v4;
	s30 =	smov.u32 @p6 s10;
	s9 =	sshrl.u32 @!p4 s10, $0x3;
	v13 =	vld.idx.msk [tilespmem:v9+s19+$0x0], $0xffff  }
0x222: {  	s11 =	simm.s32 @!p4 $0xFD80;
	v11 =	vsel vm2, v5, v4;
	s9 =	sadd.s32 @!p4 s1, s9;
	v14 =	vmov s30;
	v9 =	vld.idx.msk [tilespmem:v10+s19+$0x0], $0xffff  }
.Ltmp16:
0x223: {  	s12 =	simm.s32 @!p4 $0x5;
	s10 =	simm.s32 @!p4 $0x0;
	v11 =	vsub.s32 v11, v14;
	v10 =	vld.idx.msk [tilespmem:v12+s19+$0x0], $0xffff;
	(pc) =	sbr.rel @p3 .LBB2_24-.Ltmp16, $4  }
0x224: {  	[tilespmem:s11], [sflag:$0x5] =	stream.linear.gather @!p4 [hbm4b:s9+s10], $0x4000, $0x38;
	[tilespmem:$0x14580] =	vst v63  }
0x225: {  	_ =	swait.ge @!p4 [sflag:s12], $0x4000  }
0x226: {  	[sflag:s12] =	ssyncset.done @!p4 $0x0  }
0x227: {  	v6 =	vadd.f32 v13, v6;
	[sflag:s12] =	ssyncadd.s32 @!p4 $0xFFFFC000  }
.LBB2_25:
0x228: {  	_ =	sdelay $0x3  }
0x229: {  	v4 =	vld.idx.msk [tilespmem:v11+s31+$0x0], $0xffff;
	_ =	sdelay $0x4  }
0x22a: {  	v4 =	vmul.u32 $0x3, v4  }
0x22b: {  	vm2 =	vlt.s32 v5, v2  }
0x22c: {  	v2 =	vnsel vm2, $0x1E, v4  }
0x22d: {  	v4 =	vadd.s32 $0x1, v2  }
0x22e: {  	v5 =	vadd.s32 $0x2, v2;
	_ =	sdelay $0x2  }
0x22f: {  	v2 =	vld.idx.msk [tilespmem:v2+s19+$0x0], $0xffff  }
0x230: {  	v4 =	vld.idx.msk [tilespmem:v4+s19+$0x0], $0xffff  }
0x231: {  	v5 =	vld.idx.msk [tilespmem:v5+s19+$0x0], $0xffff  }
.Ltmp17:
0x232: {  	_ = 	snop;
	(pc) =	sbr.rel .LBB2_26-.Ltmp17, $3  }
0x233: {  	v7 =	vadd.f32 @p2 v9, v7;
	v8 =	vadd.f32 @p2 v10, v8;
	_ =	sdelay $0x1  }
0x234: {  	v2 =	vadd.f32 v2, v6;
	v6 =	vpsel p2, v7, v3;
	v7 =	vpsel p2, v8, v3  }
0x235: {  	v3 =	vadd.f32 v4, v6;
	v4 =	vadd.f32 v5, v7  }
.LBB2_13:
.Ltmp18:
0x236: {  	(pc) =	sbr.rel .LBB2_17-.Ltmp18, $2  }
0x237: {  	_ =	sdelay $0x2  }
0x238: {  	v8 =	vimm.f32 $0.0e+00;
	v9 =	vimm.f32 $0.0e+00;
	v7 =	vimm.f32 $0.0e+00  }
.LBB2_21:
.Ltmp19:
0x239: {  	(pc) =	sbr.rel .LBB2_25-.Ltmp19, $2  }
0x23a: {  	_ =	sdelay $0x2  }
0x23b: {  	v7 =	vimm.f32 $0.0e+00;
	v8 =	vimm.f32 $0.0e+00;
	v6 =	vimm.f32 $0.0e+00  }
.LBB2_15:
.Ltmp20:
0x23c: {  	(pc) =	sbr.rel .LBB2_17-.Ltmp20, $2  }
0x23d: {  	_ =	sdelay $0x2  }
0x23e: {  	v8 =	vimm.f32 $0.0e+00;
	v9 =	vimm.f32 $0.0e+00  }
.LBB2_23:
.Ltmp21:
0x23f: {  	(pc) =	sbr.rel .LBB2_25-.Ltmp21, $2  }
0x240: {  	_ =	sdelay $0x2  }
0x241: {  	v7 =	vimm.f32 $0.0e+00;
	v8 =	vimm.f32 $0.0e+00  }
.LBB2_28:
0x242: {  	_ =	sfence.sel $0x180000  }
0x243: {  	[bflag:$0x0] =	sbarrier.arrive $0xFFFF  }
0x244: {  	_ =	strace $0x90000047  }
0x245: {  	s0 =	stileid.u32;
	[bflag:$0x2] =	sbarrier.arrive $0xFFFF  }
0x246: {  	p0 =	sne.s32 s0, $0x0;
	s0 =	rddreg [dreg:$0x5]  }
0x247: {  	s0 =	sadd.s32 @!p0 $0x100000, s0  }
0x248: {  	[sflag:s0] =	ssyncadd.tile.s32 @!p0 $0x1;
	_ =	shalt  }
.Lfunc_end2:
_tile_overlayer_lowered:
.L_overlay_start_2:
0x249: {  	(tag) =	ssettag $0x2  }
0x24a: {  	s0 =	rddreg [dreg:$0x0];
	s2 =	stileid.u32  }
0x24b: {  	s1 =	rddreg [dreg:$0x1];
	p0 =	sne.s32 s2, $0x0  }
0x24c: {  	s3 =	rddreg [dreg:$0x2];
	[bflag:$0x3] =	sbarrier.arrive $0xFFFF;
	s2 =	simm.s32 @!p0 $0x1C05  }
0x24d: {  	[timem:s3], [sflag:s2] =	dma.local @!p0 [hbm:s0], s1  }
0x24e: {  	s0 =	simm.s32 @!p0 $0x5  }
0x24f: {  	_ =	swait.ge @!p0 [sflag:s0], s1  }
0x250: {  	s1 =	ssub.s32 @!p0 $0x0, s1;
	[sflag:s0] =	ssyncset.done @!p0 $0x0  }
0x251: {  	[sflag:s0] =	ssyncadd.s32 @!p0 s1  }
0x252: {  	[bflag:$0x3] =	sbarrier.arrive $0xFFFF  }
0x253: {  	_ =	shalt  }

</sc_bundles>
